<compile_context>
chip_gen: v7x
topology: tpu7x:2x2x1
jax: 0.10.2.dev20260603
libtpu: 0.0.44.dev20260713+nightly
codegen_flags: <defaults>
</compile_context>

<pallas_src>
import functools

import jax
import jax.numpy as jnp
from jax import lax
from jax.experimental import pallas as pl
from jax.experimental.pallas import tpu as pltpu
from jax.experimental.pallas import tpu_sc as plsc

N_ENT = 10000
N_REL = 200
D = 128
E = 320000
B = 1024

NC = 2
NS = 16
NW = NC * NS
CH = 128
EPW = -(-E // (NW * CH)) * CH
EPAD = EPW * NW
NCH = EPW // CH
NPAD = 10112
RPT = NPAD // NS
BPW = B // NW

ROWBLK = 2000
EBLK = 1280
NEPAD = 10240

_mesh = plsc.VectorSubcoreMesh(core_axis_name="c", subcore_axis_name="s")


@functools.partial(
    pl.kernel,
    out_type=jax.ShapeDtypeStruct((NC, NPAD, D), jnp.float32),
    mesh=_mesh,
    scratch_types=[
        pltpu.VMEM((2, CH), jnp.int32),
        pltpu.VMEM((CH, D), jnp.float32),
        pltpu.VMEM_SHARED((NPAD, D), jnp.float32),
        pltpu.SemaphoreType.DMA,
    ],
)
def _sc_segsum(hw_hbm, eidx_hbm, zeros_hbm, out_hbm, ei, r0, acc, sg0):
    c = lax.axis_index("c")
    s = lax.axis_index("s")
    wid = s * NC + c

    pltpu.sync_copy(zeros_hbm.at[pl.ds(s * RPT, RPT)], acc.at[pl.ds(s * RPT, RPT)])
    plsc.subcore_barrier()

    def body(j, carry):
        pltpu.sync_copy(eidx_hbm.at[wid, j], ei)
        pltpu.async_copy(hw_hbm.at[ei.at[0]], r0, sg0).wait()
        pltpu.sync_copy(r0, acc.at[ei.at[1]], add=True)
        return carry

    lax.fori_loop(0, NCH, body, 0)
    plsc.subcore_barrier()
    pltpu.sync_copy(acc.at[pl.ds(s * RPT, RPT)], out_hbm.at[c, pl.ds(s * RPT, RPT)])


@functools.partial(
    pl.kernel,
    out_type=[
        jax.ShapeDtypeStruct((B, D), jnp.float32),
        jax.ShapeDtypeStruct((B, D), jnp.float32),
    ],
    mesh=_mesh,
    scratch_types=[
        pltpu.VMEM((BPW,), jnp.int32),
        pltpu.VMEM((BPW,), jnp.int32),
        pltpu.VMEM((BPW, D), jnp.float32),
        pltpu.VMEM((BPW, D), jnp.float32),
        pltpu.SemaphoreType.DMA,
    ],
)
def _sc_qgather(h_hbm, erel_hbm, e1_hbm, rel_hbm, o1_hbm, o2_hbm,
                i1_v, i2_v, r1_v, r2_v, sem):
    c = lax.axis_index("c")
    s = lax.axis_index("s")
    wid = s * NC + c
    pltpu.sync_copy(e1_hbm.at[wid], i1_v)
    pltpu.sync_copy(rel_hbm.at[wid], i2_v)
    pltpu.async_copy(h_hbm.at[i1_v], r1_v, sem).wait()
    pltpu.async_copy(erel_hbm.at[i2_v], r2_v, sem).wait()
    pltpu.sync_copy(r1_v, o1_hbm.at[pl.ds(wid * BPW, BPW)])
    pltpu.sync_copy(r2_v, o2_hbm.at[pl.ds(wid * BPW, BPW)])


def _mm_body(x_ref, w_ref, o_ref):
    o_ref[...] = jnp.dot(x_ref[...], w_ref[...],
                         preferred_element_type=jnp.float32)


def _tc_matmul(x, w):
    n = x.shape[0]
    return pl.pallas_call(
        _mm_body,
        grid=(n // ROWBLK,),
        in_specs=[
            pl.BlockSpec((ROWBLK, D), lambda i: (i, 0)),
            pl.BlockSpec((D, D), lambda i: (0, 0)),
        ],
        out_specs=pl.BlockSpec((ROWBLK, D), lambda i: (i, 0)),
        out_shape=jax.ShapeDtypeStruct((n, D), jnp.float32),
    )(x, w)


def _gru_body(p_ref, h_ref, wih_ref, whh_ref, bih_ref, bhh_ref, wmsg_ref,
              h_out, hw_out):
    a = p_ref[0] + p_ref[1]
    h = h_ref[...]
    gi = jnp.dot(a, wih_ref[...], preferred_element_type=jnp.float32) + bih_ref[...]
    gh = jnp.dot(h, whh_ref[...], preferred_element_type=jnp.float32) + bhh_ref[...]
    r = jax.nn.sigmoid(gi[:, :D] + gh[:, :D])
    z = jax.nn.sigmoid(gi[:, D:2 * D] + gh[:, D:2 * D])
    n = jnp.tanh(gi[:, 2 * D:] + r * gh[:, 2 * D:])
    hn = (1.0 - z) * n + z * h
    h_out[...] = hn
    hw_out[...] = jnp.dot(hn, wmsg_ref[...], preferred_element_type=jnp.float32)


def _tc_gru(parts, h, w_ih, w_hh, b_ih, b_hh, w_msg):
    return pl.pallas_call(
        _gru_body,
        grid=(N_ENT // ROWBLK,),
        in_specs=[
            pl.BlockSpec((NC, ROWBLK, D), lambda i: (0, i, 0)),
            pl.BlockSpec((ROWBLK, D), lambda i: (i, 0)),
            pl.BlockSpec((D, 3 * D), lambda i: (0, 0)),
            pl.BlockSpec((D, 3 * D), lambda i: (0, 0)),
            pl.BlockSpec((1, 3 * D), lambda i: (0, 0)),
            pl.BlockSpec((1, 3 * D), lambda i: (0, 0)),
            pl.BlockSpec((D, D), lambda i: (0, 0)),
        ],
        out_specs=[
            pl.BlockSpec((ROWBLK, D), lambda i: (i, 0)),
            pl.BlockSpec((ROWBLK, D), lambda i: (i, 0)),
        ],
        out_shape=[
            jax.ShapeDtypeStruct((N_ENT, D), jnp.float32),
            jax.ShapeDtypeStruct((N_ENT, D), jnp.float32),
        ],
    )(parts, h, w_ih, w_hh, b_ih, b_hh, w_msg)


def _score_body(q1_ref, q2_ref, e_ref, o_ref):
    q = q1_ref[...] * q2_ref[...]
    o_ref[...] = jax.nn.sigmoid(
        lax.dot_general(q, e_ref[...], (((1,), (1,)), ((), ())),
                        preferred_element_type=jnp.float32))


def _tc_score(q1, q2, emb_pad):
    return pl.pallas_call(
        _score_body,
        grid=(NEPAD // EBLK,),
        in_specs=[
            pl.BlockSpec((B, D), lambda i: (0, 0)),
            pl.BlockSpec((B, D), lambda i: (0, 0)),
            pl.BlockSpec((EBLK, D), lambda i: (i, 0)),
        ],
        out_specs=pl.BlockSpec((B, EBLK), lambda i: (0, i)),
        out_shape=jax.ShapeDtypeStruct((B, NEPAD), jnp.float32),
    )(q1, q2, emb_pad)


def kernel(e1, rel, edge_index, emb_e, emb_rel, W_msg, W_ih, W_hh, b_ih, b_hh):
    src = edge_index[0].astype(jnp.int32)
    dst = edge_index[1].astype(jnp.int32)
    npad = EPAD - E
    srcp = jnp.concatenate([src, jnp.zeros((npad,), jnp.int32)]).reshape(NW, NCH, 1, CH)
    dstp = jnp.concatenate([dst, jnp.full((npad,), N_ENT, jnp.int32)]).reshape(NW, NCH, 1, CH)
    eidx = jnp.concatenate([srcp, dstp], axis=2)
    zeros = jnp.zeros((NPAD, D), jnp.float32)
    bih2 = b_ih.reshape(1, 3 * D)
    bhh2 = b_hh.reshape(1, 3 * D)
    e1i = e1[:, 0].astype(jnp.int32).reshape(NW, BPW)
    reli = rel[:, 0].astype(jnp.int32).reshape(NW, BPW)

    h = emb_e
    hw = _tc_matmul(h, W_msg)
    for _ in range(2):
        parts = _sc_segsum(hw, eidx, zeros)
        h, hw = _tc_gru(parts[:, :N_ENT, :], h, W_ih, W_hh, bih2, bhh2, W_msg)

    e1r, relr = _sc_qgather(h, emb_rel, e1i, reli)
    emb_pad = jnp.concatenate(
        [emb_e, jnp.zeros((NEPAD - N_ENT, D), jnp.float32)], axis=0)
    return _tc_score(e1r, relr, emb_pad)[:, :N_ENT]

# --- scband reference (transcript-rebuilt; emitter-appended) ---
"""Pipeline reference for scband-ggnndist-mult-35390530519300 (READ-ONLY COPY).

The authoritative reference and input builder live on the scoring server;
editing this copy changes nothing except your own understanding.
"""

import jax, jax.numpy as jnp
import numpy as np

N_ENT = 10000
N_REL = 200
D = 128
E = 320000
B = 1024
N_LAYERS = 2

def setup_inputs(seed: int = 0):
    key = jax.random.key(seed)
    ks = jax.random.split(key, 10)
    e1 = jax.random.randint(ks[0], (B, 1), 0, N_ENT, dtype=jnp.int64) if jax.config.jax_enable_x64 else jax.random.randint(ks[0], (B, 1), 0, N_ENT)
    rel = jax.random.randint(ks[1], (B, 1), 0, N_REL)
    edge_index = jax.random.randint(ks[2], (2, E), 0, N_ENT)
    s = 1.0 / np.sqrt(D)
    emb_e = jax.random.normal(ks[3], (N_ENT, D), dtype=jnp.float32) * s
    emb_rel = jax.random.normal(ks[4], (N_REL, D), dtype=jnp.float32) * s
    W_msg = jax.random.normal(ks[5], (D, D), dtype=jnp.float32) * s
    W_ih = jax.random.normal(ks[6], (D, 3 * D), dtype=jnp.float32) * s
    W_hh = jax.random.normal(ks[7], (D, 3 * D), dtype=jnp.float32) * s
    b_ih = jnp.zeros((3 * D,), dtype=jnp.float32)
    b_hh = jnp.zeros((3 * D,), dtype=jnp.float32)
    return {"e1": e1, "rel": rel, "edge_index": edge_index, "emb_e": emb_e,
            "emb_rel": emb_rel, "W_msg": W_msg, "W_ih": W_ih, "W_hh": W_hh,
            "b_ih": b_ih, "b_hh": b_hh}

def reference(e1, rel, edge_index, emb_e, emb_rel, W_msg, W_ih, W_hh, b_ih, b_hh):
    src = edge_index[0]
    dst = edge_index[1]
    # node_feat initialized from entity embedding table (lookup of all entities)
    h = emb_e
    # GGNN: gated graph conv, weights shared across propagation steps
    for _ in range(N_LAYERS):
        msg = jnp.take(h, src, axis=0) @ W_msg
        a = jax.ops.segment_sum(msg, dst, num_segments=N_ENT)
        gi = a @ W_ih + b_ih
        gh = h @ W_hh + b_hh
        i_r, i_z, i_n = jnp.split(gi, 3, axis=-1)
        h_r, h_z, h_n = jnp.split(gh, 3, axis=-1)
        r = jax.nn.sigmoid(i_r + h_r)
        z = jax.nn.sigmoid(i_z + h_z)
        n = jnp.tanh(i_n + r * h_n)
        h = (1.0 - z) * n + z * h
    e1_embedded = jnp.take(h, e1[:, 0], axis=0)
    rel_embedded = jnp.take(emb_rel, rel[:, 0], axis=0)
    # DistMult scoring against the (original) entity embedding table, BCE-style sigmoid
    logits = jax.nn.sigmoid((e1_embedded * rel_embedded) @ emb_e.T)
    return logits

if __name__ == "__main__":
    import jax
    _d = setup_inputs()
    print(jax.jit(kernel)(*tuple(_d.values())))

</pallas_src>

<mosaic_0001>
#map = affine_map<(d0, d1) -> (0, 0)>
#map1 = affine_map<(d0, d1) -> (0, 0, 0, 0)>
#map2 = affine_map<(d0, d1) -> (0, 0, 0)>
module attributes {stable_mosaic.version = 14 : i64} {
  func.func @_sc_segsum(%arg0: i32, %arg1: i32, %arg2: memref<10000x128xf32, #tpu.memory_space<hbm>>, %arg3: memref<32x79x2x128xi32, #tpu.memory_space<hbm>>, %arg4: memref<10112x128xf32, #tpu.memory_space<hbm>>, %arg5: memref<2x10112x128xf32, #tpu.memory_space<hbm>>, %arg6: memref<2x128xi32, #tpu.memory_space<vmem>>, %arg7: memref<128x128xf32, #tpu.memory_space<vmem>>, %arg8: memref<10112x128xf32, #tpu.memory_space<vmem_shared>>, %arg9: memref<!tpu.dma_semaphore, #tpu.memory_space<semaphore_mem>>) attributes {dimension_semantics = [#tpu.dimension_semantics<core_parallel>, #tpu.dimension_semantics<subcore_parallel>], iteration_bounds = array<i64: 2, 16>, scalar_prefetch = 0 : i64, scratch_operands = 4 : i64, tpu.core_type = #tpu.core_type<sc_vector_subcore>, window_params = [{transform_indices = #map}, {transform_indices = #map1}, {transform_indices = #map}, {transform_indices = #map2}]} {
    %mul3A = arith.constant 2 : i32
    %mul3A_0 = arith.muli %arg1, %mul3A : i32
    %add3A = arith.addi %mul3A_0, %arg0 : i32
    %mul3A_1 = arith.constant 632 : i32
    %mul3A_2 = arith.muli %arg1, %mul3A_1 : i32
    %mul3A_3 = arith.constant 632 : i32
    %mul3A_4 = arith.muli %arg1, %mul3A_3 : i32
    "tpu.region"() ({
      %run_scoped3A = tpu.sem_alloc : memref<!tpu.dma_semaphore, #tpu.memory_space<semaphore_mem>>
      %dma_start3A = arith.constant 0 : i32
      %dma_start3A_15 = tpu.memref_slice %arg8[%mul3A_4, %dma_start3A] : memref<10112x128xf32, #tpu.memory_space<vmem_shared>> -> memref<632x128xf32, #tpu.memory_space<vmem_shared>>
      %dma_start3A_16 = arith.constant 0 : i32
      %dma_start3A_17 = tpu.memref_slice %arg4[%mul3A_2, %dma_start3A_16] : memref<10112x128xf32, #tpu.memory_space<hbm>> -> memref<632x128xf32, #tpu.memory_space<hbm>>
      tpu.enqueue_dma source(%dma_start3A_17 : memref<632x128xf32, #tpu.memory_space<hbm>>) target(%dma_start3A_15 : memref<632x128xf32, #tpu.memory_space<vmem_shared>>) target_semaphore(%run_scoped3A : memref<!tpu.dma_semaphore, #tpu.memory_space<semaphore_mem>>)
      %dma_wait3A = arith.constant 0 : i32
      %dma_wait3A_18 = tpu.memref_slice %arg8[%mul3A_4, %dma_wait3A] : memref<10112x128xf32, #tpu.memory_space<vmem_shared>> -> memref<632x128xf32, #tpu.memory_space<vmem_shared>>
      %dma_wait3A_19 = arith.constant 0 : i32
      %dma_wait3A_20 = tpu.memref_slice %arg4[%mul3A_2, %dma_wait3A_19] : memref<10112x128xf32, #tpu.memory_space<hbm>> -> memref<632x128xf32, #tpu.memory_space<hbm>>
      tpu.wait_dma2 semaphore(%run_scoped3A : memref<!tpu.dma_semaphore, #tpu.memory_space<semaphore_mem>>) src(%dma_wait3A_20 : memref<632x128xf32, #tpu.memory_space<hbm>>) dst(%dma_wait3A_18 : memref<632x128xf32, #tpu.memory_space<vmem_shared>>)
      tpu.yield
    }) : () -> ()
    %barrier3A = arith.constant 0 : index
    tpu.barrier barrier_id(%barrier3A)
    %scan3A = arith.constant 0 : i32
    %scan3A_5 = arith.constant 0 : i32
    %scan3A_6 = arith.constant 79 : i32
    %scan3A_7 = arith.addi %scan3A_5, %scan3A_6 : i32
    %scan3A_8 = arith.constant 1 : i32
    scf.for %scan3A_15 = %scan3A_5 to %scan3A_7 step %scan3A_8  : i32 {
      "tpu.region"() ({
        %run_scoped3A_28 = tpu.sem_alloc : memref<!tpu.dma_semaphore, #tpu.memory_space<semaphore_mem>>
        %dma_start3A_29 = arith.constant 0 : i32
        %dma_start3A_30 = arith.constant 0 : i32
        %dma_start3A_31 = tpu.memref_slice %arg3[%add3A, %scan3A_15, %dma_start3A_29, %dma_start3A_30] : memref<32x79x2x128xi32, #tpu.memory_space<hbm>> -> memref<1x1x2x128xi32, #tpu.memory_space<hbm>>
        %dma_start3A_32 = tpu.memref_squeeze %dma_start3A_31 : memref<1x1x2x128xi32, #tpu.memory_space<hbm>> -> memref<2x128xi32, #tpu.memory_space<hbm>>
        %dma_start3A_33 = arith.constant 0 : i32
        %dma_start3A_34 = arith.constant 0 : i32
        %dma_start3A_35 = tpu.memref_slice %arg3[%add3A, %scan3A_15, %dma_start3A_33, %dma_start3A_34] : memref<32x79x2x128xi32, #tpu.memory_space<hbm>> -> memref<1x1x2x128xi32, #tpu.memory_space<hbm>>
        %dma_start3A_36 = tpu.memref_squeeze %dma_start3A_35 : memref<1x1x2x128xi32, #tpu.memory_space<hbm>> -> memref<2x128xi32, #tpu.memory_space<hbm>>
        tpu.enqueue_dma source(%dma_start3A_36 : memref<2x128xi32, #tpu.memory_space<hbm>>) target(%arg6 : memref<2x128xi32, #tpu.memory_space<vmem>>) target_semaphore(%run_scoped3A_28 : memref<!tpu.dma_semaphore, #tpu.memory_space<semaphore_mem>>)
        %dma_wait3A_37 = arith.constant 0 : i32
        %dma_wait3A_38 = arith.constant 0 : i32
        %dma_wait3A_39 = tpu.memref_slice %arg3[%add3A, %scan3A_15, %dma_wait3A_37, %dma_wait3A_38] : memref<32x79x2x128xi32, #tpu.memory_space<hbm>> -> memref<1x1x2x128xi32, #tpu.memory_space<hbm>>
        %dma_wait3A_40 = tpu.memref_squeeze %dma_wait3A_39 : memref<1x1x2x128xi32, #tpu.memory_space<hbm>> -> memref<2x128xi32, #tpu.memory_space<hbm>>
        %dma_wait3A_41 = arith.constant 0 : i32
        %dma_wait3A_42 = arith.constant 0 : i32
        %dma_wait3A_43 = tpu.memref_slice %arg3[%add3A, %scan3A_15, %dma_wait3A_41, %dma_wait3A_42] : memref<32x79x2x128xi32, #tpu.memory_space<hbm>> -> memref<1x1x2x128xi32, #tpu.memory_space<hbm>>
        %dma_wait3A_44 = tpu.memref_squeeze %dma_wait3A_43 : memref<1x1x2x128xi32, #tpu.memory_space<hbm>> -> memref<2x128xi32, #tpu.memory_space<hbm>>
        tpu.wait_dma2 semaphore(%run_scoped3A_28 : memref<!tpu.dma_semaphore, #tpu.memory_space<semaphore_mem>>) src(%dma_wait3A_44 : memref<2x128xi32, #tpu.memory_space<hbm>>) dst(%arg6 : memref<2x128xi32, #tpu.memory_space<vmem>>)
        tpu.yield
      }) : () -> ()
      %dma_start3A = arith.constant 0 : i32
      %dma_start3A_16 = arith.constant 0 : i32
      %dma_start3A_17 = tpu.memref_slice %arg6[%dma_start3A, %dma_start3A_16] : memref<2x128xi32, #tpu.memory_space<vmem>> -> memref<1x128xi32, #tpu.memory_space<vmem>>
      %dma_start3A_18 = tpu.memref_squeeze %dma_start3A_17 : memref<1x128xi32, #tpu.memory_space<vmem>> -> memref<128xi32, #tpu.memory_space<vmem>>
      %dma_start3A_19 = arith.constant 0 : i32
      %dma_start3A_20 = arith.constant 0 : i32
      %dma_start3A_21 = tpu.memref_slice %arg2[%dma_start3A_19, %dma_start3A_20] : memref<10000x128xf32, #tpu.memory_space<hbm>> -> memref<10000x128xf32, #tpu.memory_space<hbm>>
      tpu.enqueue_indirect_dma source(%dma_start3A_21 : memref<10000x128xf32, #tpu.memory_space<hbm>>) target(%arg7 : memref<128x128xf32, #tpu.memory_space<vmem>>) offsets(%dma_start3A_18 : memref<128xi32, #tpu.memory_space<vmem>>) semaphore(%arg9 : memref<!tpu.dma_semaphore, #tpu.memory_space<semaphore_mem>>)
      %dma_wait3A = arith.constant 0 : i32
      %dma_wait3A_22 = arith.constant 0 : i32
      %dma_wait3A_23 = tpu.memref_slice %arg6[%dma_wait3A, %dma_wait3A_22] : memref<2x128xi32, #tpu.memory_space<vmem>> -> memref<1x128xi32, #tpu.memory_space<vmem>>
      %dma_wait3A_24 = tpu.memref_squeeze %dma_wait3A_23 : memref<1x128xi32, #tpu.memory_space<vmem>> -> memref<128xi32, #tpu.memory_space<vmem>>
      %dma_wait3A_25 = arith.constant 0 : i32
      %dma_wait3A_26 = arith.constant 0 : i32
      %dma_wait3A_27 = tpu.memref_slice %arg2[%dma_wait3A_25, %dma_wait3A_26] : memref<10000x128xf32, #tpu.memory_space<hbm>> -> memref<10000x128xf32, #tpu.memory_space<hbm>>
      tpu.wait_indirect_dma semaphore(%arg9 : memref<!tpu.dma_semaphore, #tpu.memory_space<semaphore_mem>>) src(%dma_wait3A_27 : memref<10000x128xf32, #tpu.memory_space<hbm>>) dst(%arg7 : memref<128x128xf32, #tpu.memory_space<vmem>>)
      %run_scoped3A = arith.constant 1 : i32
      "tpu.region"() ({
        %run_scoped3A_28 = tpu.sem_alloc : memref<!tpu.dma_semaphore, #tpu.memory_space<semaphore_mem>>
        %dma_start3A_29 = arith.constant 0 : i32
        %dma_start3A_30 = tpu.memref_slice %arg6[%run_scoped3A, %dma_start3A_29] : memref<2x128xi32, #tpu.memory_space<vmem>> -> memref<1x128xi32, #tpu.memory_space<vmem>>
        %dma_start3A_31 = tpu.memref_squeeze %dma_start3A_30 : memref<1x128xi32, #tpu.memory_space<vmem>> -> memref<128xi32, #tpu.memory_space<vmem>>
        %dma_start3A_32 = arith.constant 0 : i32
        %dma_start3A_33 = arith.constant 0 : i32
        %dma_start3A_34 = tpu.memref_slice %arg8[%dma_start3A_32, %dma_start3A_33] : memref<10112x128xf32, #tpu.memory_space<vmem_shared>> -> memref<10112x128xf32, #tpu.memory_space<vmem_shared>>
        tpu.enqueue_indirect_dma source(%arg7 : memref<128x128xf32, #tpu.memory_space<vmem>>) target(%dma_start3A_34 : memref<10112x128xf32, #tpu.memory_space<vmem_shared>>) offsets(%dma_start3A_31 : memref<128xi32, #tpu.memory_space<vmem>>) semaphore(%run_scoped3A_28 : memref<!tpu.dma_semaphore, #tpu.memory_space<semaphore_mem>>) {add = true}
        %dma_wait3A_35 = arith.constant 0 : i32
        %dma_wait3A_36 = tpu.memref_slice %arg6[%run_scoped3A, %dma_wait3A_35] : memref<2x128xi32, #tpu.memory_space<vmem>> -> memref<1x128xi32, #tpu.memory_space<vmem>>
        %dma_wait3A_37 = tpu.memref_squeeze %dma_wait3A_36 : memref<1x128xi32, #tpu.memory_space<vmem>> -> memref<128xi32, #tpu.memory_space<vmem>>
        %dma_wait3A_38 = arith.constant 0 : i32
        %dma_wait3A_39 = arith.constant 0 : i32
        %dma_wait3A_40 = tpu.memref_slice %arg8[%dma_wait3A_38, %dma_wait3A_39] : memref<10112x128xf32, #tpu.memory_space<vmem_shared>> -> memref<10112x128xf32, #tpu.memory_space<vmem_shared>>
        tpu.wait_indirect_dma semaphore(%run_scoped3A_28 : memref<!tpu.dma_semaphore, #tpu.memory_space<semaphore_mem>>) src(%arg7 : memref<128x128xf32, #tpu.memory_space<vmem>>) dst(%dma_wait3A_40 : memref<10112x128xf32, #tpu.memory_space<vmem_shared>>)
        tpu.yield
      }) : () -> ()
    }
    %scan3A_9 = arith.constant 79 : i32
    %barrier3A_10 = arith.constant 0 : index
    tpu.barrier barrier_id(%barrier3A_10)
    %mul3A_11 = arith.constant 632 : i32
    %mul3A_12 = arith.muli %arg1, %mul3A_11 : i32
    %mul3A_13 = arith.constant 632 : i32
    %mul3A_14 = arith.muli %arg1, %mul3A_13 : i32
    "tpu.region"() ({
      %run_scoped3A = tpu.sem_alloc : memref<!tpu.dma_semaphore, #tpu.memory_space<semaphore_mem>>
      %dma_start3A = arith.constant 0 : i32
      %dma_start3A_15 = tpu.memref_slice %arg5[%arg0, %mul3A_14, %dma_start3A] : memref<2x10112x128xf32, #tpu.memory_space<hbm>> -> memref<1x632x128xf32, #tpu.memory_space<hbm>>
      %dma_start3A_16 = tpu.memref_squeeze %dma_start3A_15 : memref<1x632x128xf32, #tpu.memory_space<hbm>> -> memref<632x128xf32, #tpu.memory_space<hbm>>
      %dma_start3A_17 = arith.constant 0 : i32
      %dma_start3A_18 = tpu.memref_slice %arg8[%mul3A_12, %dma_start3A_17] : memref<10112x128xf32, #tpu.memory_space<vmem_shared>> -> memref<632x128xf32, #tpu.memory_space<vmem_shared>>
      tpu.enqueue_dma source(%dma_start3A_18 : memref<632x128xf32, #tpu.memory_space<vmem_shared>>) target(%dma_start3A_16 : memref<632x128xf32, #tpu.memory_space<hbm>>) target_semaphore(%run_scoped3A : memref<!tpu.dma_semaphore, #tpu.memory_space<semaphore_mem>>)
      %dma_wait3A = arith.constant 0 : i32
      %dma_wait3A_19 = tpu.memref_slice %arg5[%arg0, %mul3A_14, %dma_wait3A] : memref<2x10112x128xf32, #tpu.memory_space<hbm>> -> memref<1x632x128xf32, #tpu.memory_space<hbm>>
      %dma_wait3A_20 = tpu.memref_squeeze %dma_wait3A_19 : memref<1x632x128xf32, #tpu.memory_space<hbm>> -> memref<632x128xf32, #tpu.memory_space<hbm>>
      %dma_wait3A_21 = arith.constant 0 : i32
      %dma_wait3A_22 = tpu.memref_slice %arg8[%mul3A_12, %dma_wait3A_21] : memref<10112x128xf32, #tpu.memory_space<vmem_shared>> -> memref<632x128xf32, #tpu.memory_space<vmem_shared>>
      tpu.wait_dma2 semaphore(%run_scoped3A : memref<!tpu.dma_semaphore, #tpu.memory_space<semaphore_mem>>) src(%dma_wait3A_22 : memref<632x128xf32, #tpu.memory_space<vmem_shared>>) dst(%dma_wait3A_20 : memref<632x128xf32, #tpu.memory_space<hbm>>)
      tpu.yield
    }) : () -> ()
    return
  }
}

#map = affine_map<(d0, d1) -> (0, 0)>
#map1 = affine_map<(d0, d1) -> (0, 0, 0, 0)>
#map2 = affine_map<(d0, d1) -> (0, 0, 0)>
module attributes {stable_mosaic.version = 14 : i64} {
  func.func @_sc_segsum(%arg0: i32, %arg1: i32, %arg2: memref<10000x128xf32, #tpu.memory_space<hbm>>, %arg3: memref<32x79x2x128xi32, #tpu.memory_space<hbm>>, %arg4: memref<10112x128xf32, #tpu.memory_space<hbm>>, %arg5: memref<2x10112x128xf32, #tpu.memory_space<hbm>>, %arg6: memref<2x128xi32, #tpu.memory_space<vmem>>, %arg7: memref<128x128xf32, #tpu.memory_space<vmem>>, %arg8: memref<10112x128xf32, #tpu.memory_space<vmem_shared>>, %arg9: memref<!tpu.dma_semaphore, #tpu.memory_space<semaphore_mem>>) attributes {dimension_semantics = [#tpu.dimension_semantics<core_parallel>, #tpu.dimension_semantics<subcore_parallel>], iteration_bounds = array<i64: 2, 16>, scalar_prefetch = 0 : i64, scratch_operands = 4 : i64, tpu.core_type = #tpu.core_type<sc_vector_subcore>, window_params = [{transform_indices = #map}, {transform_indices = #map1}, {transform_indices = #map}, {transform_indices = #map2}]} {
    %mul3A = arith.constant 2 : i32
    %mul3A_0 = arith.muli %arg1, %mul3A : i32
    %add3A = arith.addi %mul3A_0, %arg0 : i32
    %mul3A_1 = arith.constant 632 : i32
    %mul3A_2 = arith.muli %arg1, %mul3A_1 : i32
    %mul3A_3 = arith.constant 632 : i32
    %mul3A_4 = arith.muli %arg1, %mul3A_3 : i32
    "tpu.region"() ({
      %run_scoped3A = tpu.sem_alloc : memref<!tpu.dma_semaphore, #tpu.memory_space<semaphore_mem>>
      %dma_start3A = arith.constant 0 : i32
      %dma_start3A_15 = tpu.memref_slice %arg8[%mul3A_4, %dma_start3A] : memref<10112x128xf32, #tpu.memory_space<vmem_shared>> -> memref<632x128xf32, #tpu.memory_space<vmem_shared>>
      %dma_start3A_16 = arith.constant 0 : i32
      %dma_start3A_17 = tpu.memref_slice %arg4[%mul3A_2, %dma_start3A_16] : memref<10112x128xf32, #tpu.memory_space<hbm>> -> memref<632x128xf32, #tpu.memory_space<hbm>>
      tpu.enqueue_dma source(%dma_start3A_17 : memref<632x128xf32, #tpu.memory_space<hbm>>) target(%dma_start3A_15 : memref<632x128xf32, #tpu.memory_space<vmem_shared>>) target_semaphore(%run_scoped3A : memref<!tpu.dma_semaphore, #tpu.memory_space<semaphore_mem>>)
      %dma_wait3A = arith.constant 0 : i32
      %dma_wait3A_18 = tpu.memref_slice %arg8[%mul3A_4, %dma_wait3A] : memref<10112x128xf32, #tpu.memory_space<vmem_shared>> -> memref<632x128xf32, #tpu.memory_space<vmem_shared>>
      %dma_wait3A_19 = arith.constant 0 : i32
      %dma_wait3A_20 = tpu.memref_slice %arg4[%mul3A_2, %dma_wait3A_19] : memref<10112x128xf32, #tpu.memory_space<hbm>> -> memref<632x128xf32, #tpu.memory_space<hbm>>
      tpu.wait_dma2 semaphore(%run_scoped3A : memref<!tpu.dma_semaphore, #tpu.memory_space<semaphore_mem>>) src(%dma_wait3A_20 : memref<632x128xf32, #tpu.memory_space<hbm>>) dst(%dma_wait3A_18 : memref<632x128xf32, #tpu.memory_space<vmem_shared>>)
      tpu.yield
    }) : () -> ()
    %barrier3A = arith.constant 0 : index
    tpu.barrier barrier_id(%barrier3A)
    %scan3A = arith.constant 0 : i32
    %scan3A_5 = arith.constant 0 : i32
    %scan3A_6 = arith.constant 79 : i32
    %scan3A_7 = arith.addi %scan3A_5, %scan3A_6 : i32
    %scan3A_8 = arith.constant 1 : i32
    scf.for %scan3A_15 = %scan3A_5 to %scan3A_7 step %scan3A_8  : i32 {
      "tpu.region"() ({
        %run_scoped3A_28 = tpu.sem_alloc : memref<!tpu.dma_semaphore, #tpu.memory_space<semaphore_mem>>
        %dma_start3A_29 = arith.constant 0 : i32
        %dma_start3A_30 = arith.constant 0 : i32
        %dma_start3A_31 = tpu.memref_slice %arg3[%add3A, %scan3A_15, %dma_start3A_29, %dma_start3A_30] : memref<32x79x2x128xi32, #tpu.memory_space<hbm>> -> memref<1x1x2x128xi32, #tpu.memory_space<hbm>>
        %dma_start3A_32 = tpu.memref_squeeze %dma_start3A_31 : memref<1x1x2x128xi32, #tpu.memory_space<hbm>> -> memref<2x128xi32, #tpu.memory_space<hbm>>
        %dma_start3A_33 = arith.constant 0 : i32
        %dma_start3A_34 = arith.constant 0 : i32
        %dma_start3A_35 = tpu.memref_slice %arg3[%add3A, %scan3A_15, %dma_start3A_33, %dma_start3A_34] : memref<32x79x2x128xi32, #tpu.memory_space<hbm>> -> memref<1x1x2x128xi32, #tpu.memory_space<hbm>>
        %dma_start3A_36 = tpu.memref_squeeze %dma_start3A_35 : memref<1x1x2x128xi32, #tpu.memory_space<hbm>> -> memref<2x128xi32, #tpu.memory_space<hbm>>
        tpu.enqueue_dma source(%dma_start3A_36 : memref<2x128xi32, #tpu.memory_space<hbm>>) target(%arg6 : memref<2x128xi32, #tpu.memory_space<vmem>>) target_semaphore(%run_scoped3A_28 : memref<!tpu.dma_semaphore, #tpu.memory_space<semaphore_mem>>)
        %dma_wait3A_37 = arith.constant 0 : i32
        %dma_wait3A_38 = arith.constant 0 : i32
        %dma_wait3A_39 = tpu.memref_slice %arg3[%add3A, %scan3A_15, %dma_wait3A_37, %dma_wait3A_38] : memref<32x79x2x128xi32, #tpu.memory_space<hbm>> -> memref<1x1x2x128xi32, #tpu.memory_space<hbm>>
        %dma_wait3A_40 = tpu.memref_squeeze %dma_wait3A_39 : memref<1x1x2x128xi32, #tpu.memory_space<hbm>> -> memref<2x128xi32, #tpu.memory_space<hbm>>
        %dma_wait3A_41 = arith.constant 0 : i32
        %dma_wait3A_42 = arith.constant 0 : i32
        %dma_wait3A_43 = tpu.memref_slice %arg3[%add3A, %scan3A_15, %dma_wait3A_41, %dma_wait3A_42] : memref<32x79x2x128xi32, #tpu.memory_space<hbm>> -> memref<1x1x2x128xi32, #tpu.memory_space<hbm>>
        %dma_wait3A_44 = tpu.memref_squeeze %dma_wait3A_43 : memref<1x1x2x128xi32, #tpu.memory_space<hbm>> -> memref<2x128xi32, #tpu.memory_space<hbm>>
        tpu.wait_dma2 semaphore(%run_scoped3A_28 : memref<!tpu.dma_semaphore, #tpu.memory_space<semaphore_mem>>) src(%dma_wait3A_44 : memref<2x128xi32, #tpu.memory_space<hbm>>) dst(%arg6 : memref<2x128xi32, #tpu.memory_space<vmem>>)
        tpu.yield
      }) : () -> ()
      %dma_start3A = arith.constant 0 : i32
      %dma_start3A_16 = arith.constant 0 : i32
      %dma_start3A_17 = tpu.memref_slice %arg6[%dma_start3A, %dma_start3A_16] : memref<2x128xi32, #tpu.memory_space<vmem>> -> memref<1x128xi32, #tpu.memory_space<vmem>>
      %dma_start3A_18 = tpu.memref_squeeze %dma_start3A_17 : memref<1x128xi32, #tpu.memory_space<vmem>> -> memref<128xi32, #tpu.memory_space<vmem>>
      %dma_start3A_19 = arith.constant 0 : i32
      %dma_start3A_20 = arith.constant 0 : i32
      %dma_start3A_21 = tpu.memref_slice %arg2[%dma_start3A_19, %dma_start3A_20] : memref<10000x128xf32, #tpu.memory_space<hbm>> -> memref<10000x128xf32, #tpu.memory_space<hbm>>
      tpu.enqueue_indirect_dma source(%dma_start3A_21 : memref<10000x128xf32, #tpu.memory_space<hbm>>) target(%arg7 : memref<128x128xf32, #tpu.memory_space<vmem>>) offsets(%dma_start3A_18 : memref<128xi32, #tpu.memory_space<vmem>>) semaphore(%arg9 : memref<!tpu.dma_semaphore, #tpu.memory_space<semaphore_mem>>)
      %dma_wait3A = arith.constant 0 : i32
      %dma_wait3A_22 = arith.constant 0 : i32
      %dma_wait3A_23 = tpu.memref_slice %arg6[%dma_wait3A, %dma_wait3A_22] : memref<2x128xi32, #tpu.memory_space<vmem>> -> memref<1x128xi32, #tpu.memory_space<vmem>>
      %dma_wait3A_24 = tpu.memref_squeeze %dma_wait3A_23 : memref<1x128xi32, #tpu.memory_space<vmem>> -> memref<128xi32, #tpu.memory_space<vmem>>
      %dma_wait3A_25 = arith.constant 0 : i32
      %dma_wait3A_26 = arith.constant 0 : i32
      %dma_wait3A_27 = tpu.memref_slice %arg2[%dma_wait3A_25, %dma_wait3A_26] : memref<10000x128xf32, #tpu.memory_space<hbm>> -> memref<10000x128xf32, #tpu.memory_space<hbm>>
      tpu.wait_indirect_dma semaphore(%arg9 : memref<!tpu.dma_semaphore, #tpu.memory_space<semaphore_mem>>) src(%dma_wait3A_27 : memref<10000x128xf32, #tpu.memory_space<hbm>>) dst(%arg7 : memref<128x128xf32, #tpu.memory_space<vmem>>)
      %run_scoped3A = arith.constant 1 : i32
      "tpu.region"() ({
        %run_scoped3A_28 = tpu.sem_alloc : memref<!tpu.dma_semaphore, #tpu.memory_space<semaphore_mem>>
        %dma_start3A_29 = arith.constant 0 : i32
        %dma_start3A_30 = tpu.memref_slice %arg6[%run_scoped3A, %dma_start3A_29] : memref<2x128xi32, #tpu.memory_space<vmem>> -> memref<1x128xi32, #tpu.memory_space<vmem>>
        %dma_start3A_31 = tpu.memref_squeeze %dma_start3A_30 : memref<1x128xi32, #tpu.memory_space<vmem>> -> memref<128xi32, #tpu.memory_space<vmem>>
        %dma_start3A_32 = arith.constant 0 : i32
        %dma_start3A_33 = arith.constant 0 : i32
        %dma_start3A_34 = tpu.memref_slice %arg8[%dma_start3A_32, %dma_start3A_33] : memref<10112x128xf32, #tpu.memory_space<vmem_shared>> -> memref<10112x128xf32, #tpu.memory_space<vmem_shared>>
        tpu.enqueue_indirect_dma source(%arg7 : memref<128x128xf32, #tpu.memory_space<vmem>>) target(%dma_start3A_34 : memref<10112x128xf32, #tpu.memory_space<vmem_shared>>) offsets(%dma_start3A_31 : memref<128xi32, #tpu.memory_space<vmem>>) semaphore(%run_scoped3A_28 : memref<!tpu.dma_semaphore, #tpu.memory_space<semaphore_mem>>) {add = true}
        %dma_wait3A_35 = arith.constant 0 : i32
        %dma_wait3A_36 = tpu.memref_slice %arg6[%run_scoped3A, %dma_wait3A_35] : memref<2x128xi32, #tpu.memory_space<vmem>> -> memref<1x128xi32, #tpu.memory_space<vmem>>
        %dma_wait3A_37 = tpu.memref_squeeze %dma_wait3A_36 : memref<1x128xi32, #tpu.memory_space<vmem>> -> memref<128xi32, #tpu.memory_space<vmem>>
        %dma_wait3A_38 = arith.constant 0 : i32
        %dma_wait3A_39 = arith.constant 0 : i32
        %dma_wait3A_40 = tpu.memref_slice %arg8[%dma_wait3A_38, %dma_wait3A_39] : memref<10112x128xf32, #tpu.memory_space<vmem_shared>> -> memref<10112x128xf32, #tpu.memory_space<vmem_shared>>
        tpu.wait_indirect_dma semaphore(%run_scoped3A_28 : memref<!tpu.dma_semaphore, #tpu.memory_space<semaphore_mem>>) src(%arg7 : memref<128x128xf32, #tpu.memory_space<vmem>>) dst(%dma_wait3A_40 : memref<10112x128xf32, #tpu.memory_space<vmem_shared>>)
        tpu.yield
      }) : () -> ()
    }
    %scan3A_9 = arith.constant 79 : i32
    %barrier3A_10 = arith.constant 0 : index
    tpu.barrier barrier_id(%barrier3A_10)
    %mul3A_11 = arith.constant 632 : i32
    %mul3A_12 = arith.muli %arg1, %mul3A_11 : i32
    %mul3A_13 = arith.constant 632 : i32
    %mul3A_14 = arith.muli %arg1, %mul3A_13 : i32
    "tpu.region"() ({
      %run_scoped3A = tpu.sem_alloc : memref<!tpu.dma_semaphore, #tpu.memory_space<semaphore_mem>>
      %dma_start3A = arith.constant 0 : i32
      %dma_start3A_15 = tpu.memref_slice %arg5[%arg0, %mul3A_14, %dma_start3A] : memref<2x10112x128xf32, #tpu.memory_space<hbm>> -> memref<1x632x128xf32, #tpu.memory_space<hbm>>
      %dma_start3A_16 = tpu.memref_squeeze %dma_start3A_15 : memref<1x632x128xf32, #tpu.memory_space<hbm>> -> memref<632x128xf32, #tpu.memory_space<hbm>>
      %dma_start3A_17 = arith.constant 0 : i32
      %dma_start3A_18 = tpu.memref_slice %arg8[%mul3A_12, %dma_start3A_17] : memref<10112x128xf32, #tpu.memory_space<vmem_shared>> -> memref<632x128xf32, #tpu.memory_space<vmem_shared>>
      tpu.enqueue_dma source(%dma_start3A_18 : memref<632x128xf32, #tpu.memory_space<vmem_shared>>) target(%dma_start3A_16 : memref<632x128xf32, #tpu.memory_space<hbm>>) target_semaphore(%run_scoped3A : memref<!tpu.dma_semaphore, #tpu.memory_space<semaphore_mem>>)
      %dma_wait3A = arith.constant 0 : i32
      %dma_wait3A_19 = tpu.memref_slice %arg5[%arg0, %mul3A_14, %dma_wait3A] : memref<2x10112x128xf32, #tpu.memory_space<hbm>> -> memref<1x632x128xf32, #tpu.memory_space<hbm>>
      %dma_wait3A_20 = tpu.memref_squeeze %dma_wait3A_19 : memref<1x632x128xf32, #tpu.memory_space<hbm>> -> memref<632x128xf32, #tpu.memory_space<hbm>>
      %dma_wait3A_21 = arith.constant 0 : i32
      %dma_wait3A_22 = tpu.memref_slice %arg8[%mul3A_12, %dma_wait3A_21] : memref<10112x128xf32, #tpu.memory_space<vmem_shared>> -> memref<632x128xf32, #tpu.memory_space<vmem_shared>>
      tpu.wait_dma2 semaphore(%run_scoped3A : memref<!tpu.dma_semaphore, #tpu.memory_space<semaphore_mem>>) src(%dma_wait3A_22 : memref<632x128xf32, #tpu.memory_space<vmem_shared>>) dst(%dma_wait3A_20 : memref<632x128xf32, #tpu.memory_space<hbm>>)
      tpu.yield
    }) : () -> ()
    return
  }
}

#map = affine_map<(d0, d1) -> (0, 0)>
module attributes {stable_mosaic.version = 14 : i64} {
  func.func @_sc_qgather(%arg0: i32, %arg1: i32, %arg2: memref<10000x128xf32, #tpu.memory_space<hbm>>, %arg3: memref<200x128xf32, #tpu.memory_space<hbm>>, %arg4: memref<32x32xi32, #tpu.memory_space<hbm>>, %arg5: memref<32x32xi32, #tpu.memory_space<hbm>>, %arg6: memref<1024x128xf32, #tpu.memory_space<hbm>>, %arg7: memref<1024x128xf32, #tpu.memory_space<hbm>>, %arg8: memref<32xi32, #tpu.memory_space<vmem>>, %arg9: memref<32xi32, #tpu.memory_space<vmem>>, %arg10: memref<32x128xf32, #tpu.memory_space<vmem>>, %arg11: memref<32x128xf32, #tpu.memory_space<vmem>>, %arg12: memref<!tpu.dma_semaphore, #tpu.memory_space<semaphore_mem>>) attributes {dimension_semantics = [#tpu.dimension_semantics<core_parallel>, #tpu.dimension_semantics<subcore_parallel>], iteration_bounds = array<i64: 2, 16>, scalar_prefetch = 0 : i64, scratch_operands = 5 : i64, tpu.core_type = #tpu.core_type<sc_vector_subcore>, window_params = [{transform_indices = #map}, {transform_indices = #map}, {transform_indices = #map}, {transform_indices = #map}, {transform_indices = #map}, {transform_indices = #map}]} {
    %mul3A = arith.constant 2 : i32
    %mul3A_0 = arith.muli %arg1, %mul3A : i32
    %add3A = arith.addi %mul3A_0, %arg0 : i32
    "tpu.region"() ({
      %run_scoped3A = tpu.sem_alloc : memref<!tpu.dma_semaphore, #tpu.memory_space<semaphore_mem>>
      %dma_start3A_15 = arith.constant 0 : i32
      %dma_start3A_16 = tpu.memref_slice %arg4[%add3A, %dma_start3A_15] : memref<32x32xi32, #tpu.memory_space<hbm>> -> memref<1x32xi32, #tpu.memory_space<hbm>>
      %dma_start3A_17 = tpu.memref_squeeze %dma_start3A_16 : memref<1x32xi32, #tpu.memory_space<hbm>> -> memref<32xi32, #tpu.memory_space<hbm>>
      %dma_start3A_18 = arith.constant 0 : i32
      %dma_start3A_19 = tpu.memref_slice %arg4[%add3A, %dma_start3A_18] : memref<32x32xi32, #tpu.memory_space<hbm>> -> memref<1x32xi32, #tpu.memory_space<hbm>>
      %dma_start3A_20 = tpu.memref_squeeze %dma_start3A_19 : memref<1x32xi32, #tpu.memory_space<hbm>> -> memref<32xi32, #tpu.memory_space<hbm>>
      tpu.enqueue_dma source(%dma_start3A_20 : memref<32xi32, #tpu.memory_space<hbm>>) target(%arg8 : memref<32xi32, #tpu.memory_space<vmem>>) target_semaphore(%run_scoped3A : memref<!tpu.dma_semaphore, #tpu.memory_space<semaphore_mem>>)
      %dma_wait3A_21 = arith.constant 0 : i32
      %dma_wait3A_22 = tpu.memref_slice %arg4[%add3A, %dma_wait3A_21] : memref<32x32xi32, #tpu.memory_space<hbm>> -> memref<1x32xi32, #tpu.memory_space<hbm>>
      %dma_wait3A_23 = tpu.memref_squeeze %dma_wait3A_22 : memref<1x32xi32, #tpu.memory_space<hbm>> -> memref<32xi32, #tpu.memory_space<hbm>>
      %dma_wait3A_24 = arith.constant 0 : i32
      %dma_wait3A_25 = tpu.memref_slice %arg4[%add3A, %dma_wait3A_24] : memref<32x32xi32, #tpu.memory_space<hbm>> -> memref<1x32xi32, #tpu.memory_space<hbm>>
      %dma_wait3A_26 = tpu.memref_squeeze %dma_wait3A_25 : memref<1x32xi32, #tpu.memory_space<hbm>> -> memref<32xi32, #tpu.memory_space<hbm>>
      tpu.wait_dma2 semaphore(%run_scoped3A : memref<!tpu.dma_semaphore, #tpu.memory_space<semaphore_mem>>) src(%dma_wait3A_26 : memref<32xi32, #tpu.memory_space<hbm>>) dst(%arg8 : memref<32xi32, #tpu.memory_space<vmem>>)
      tpu.yield
    }) : () -> ()
    "tpu.region"() ({
      %run_scoped3A = tpu.sem_alloc : memref<!tpu.dma_semaphore, #tpu.memory_space<semaphore_mem>>
      %dma_start3A_15 = arith.constant 0 : i32
      %dma_start3A_16 = tpu.memref_slice %arg5[%add3A, %dma_start3A_15] : memref<32x32xi32, #tpu.memory_space<hbm>> -> memref<1x32xi32, #tpu.memory_space<hbm>>
      %dma_start3A_17 = tpu.memref_squeeze %dma_start3A_16 : memref<1x32xi32, #tpu.memory_space<hbm>> -> memref<32xi32, #tpu.memory_space<hbm>>
      %dma_start3A_18 = arith.constant 0 : i32
      %dma_start3A_19 = tpu.memref_slice %arg5[%add3A, %dma_start3A_18] : memref<32x32xi32, #tpu.memory_space<hbm>> -> memref<1x32xi32, #tpu.memory_space<hbm>>
      %dma_start3A_20 = tpu.memref_squeeze %dma_start3A_19 : memref<1x32xi32, #tpu.memory_space<hbm>> -> memref<32xi32, #tpu.memory_space<hbm>>
      tpu.enqueue_dma source(%dma_start3A_20 : memref<32xi32, #tpu.memory_space<hbm>>) target(%arg9 : memref<32xi32, #tpu.memory_space<vmem>>) target_semaphore(%run_scoped3A : memref<!tpu.dma_semaphore, #tpu.memory_space<semaphore_mem>>)
      %dma_wait3A_21 = arith.constant 0 : i32
      %dma_wait3A_22 = tpu.memref_slice %arg5[%add3A, %dma_wait3A_21] : memref<32x32xi32, #tpu.memory_space<hbm>> -> memref<1x32xi32, #tpu.memory_space<hbm>>
      %dma_wait3A_23 = tpu.memref_squeeze %dma_wait3A_22 : memref<1x32xi32, #tpu.memory_space<hbm>> -> memref<32xi32, #tpu.memory_space<hbm>>
      %dma_wait3A_24 = arith.constant 0 : i32
      %dma_wait3A_25 = tpu.memref_slice %arg5[%add3A, %dma_wait3A_24] : memref<32x32xi32, #tpu.memory_space<hbm>> -> memref<1x32xi32, #tpu.memory_space<hbm>>
      %dma_wait3A_26 = tpu.memref_squeeze %dma_wait3A_25 : memref<1x32xi32, #tpu.memory_space<hbm>> -> memref<32xi32, #tpu.memory_space<hbm>>
      tpu.wait_dma2 semaphore(%run_scoped3A : memref<!tpu.dma_semaphore, #tpu.memory_space<semaphore_mem>>) src(%dma_wait3A_26 : memref<32xi32, #tpu.memory_space<hbm>>) dst(%arg9 : memref<32xi32, #tpu.memory_space<vmem>>)
      tpu.yield
    }) : () -> ()
    %dma_start3A = arith.constant 0 : i32
    %dma_start3A_1 = arith.constant 0 : i32
    %dma_start3A_2 = tpu.memref_slice %arg2[%dma_start3A, %dma_start3A_1] : memref<10000x128xf32, #tpu.memory_space<hbm>> -> memref<10000x128xf32, #tpu.memory_space<hbm>>
    tpu.enqueue_indirect_dma source(%dma_start3A_2 : memref<10000x128xf32, #tpu.memory_space<hbm>>) target(%arg10 : memref<32x128xf32, #tpu.memory_space<vmem>>) offsets(%arg8 : memref<32xi32, #tpu.memory_space<vmem>>) semaphore(%arg12 : memref<!tpu.dma_semaphore, #tpu.memory_space<semaphore_mem>>)
    %dma_wait3A = arith.constant 0 : i32
    %dma_wait3A_3 = arith.constant 0 : i32
    %dma_wait3A_4 = tpu.memref_slice %arg2[%dma_wait3A, %dma_wait3A_3] : memref<10000x128xf32, #tpu.memory_space<hbm>> -> memref<10000x128xf32, #tpu.memory_space<hbm>>
    tpu.wait_indirect_dma semaphore(%arg12 : memref<!tpu.dma_semaphore, #tpu.memory_space<semaphore_mem>>) src(%dma_wait3A_4 : memref<10000x128xf32, #tpu.memory_space<hbm>>) dst(%arg10 : memref<32x128xf32, #tpu.memory_space<vmem>>)
    %dma_start3A_5 = arith.constant 0 : i32
    %dma_start3A_6 = arith.constant 0 : i32
    %dma_start3A_7 = tpu.memref_slice %arg3[%dma_start3A_5, %dma_start3A_6] : memref<200x128xf32, #tpu.memory_space<hbm>> -> memref<200x128xf32, #tpu.memory_space<hbm>>
    tpu.enqueue_indirect_dma source(%dma_start3A_7 : memref<200x128xf32, #tpu.memory_space<hbm>>) target(%arg11 : memref<32x128xf32, #tpu.memory_space<vmem>>) offsets(%arg9 : memref<32xi32, #tpu.memory_space<vmem>>) semaphore(%arg12 : memref<!tpu.dma_semaphore, #tpu.memory_space<semaphore_mem>>)
    %dma_wait3A_8 = arith.constant 0 : i32
    %dma_wait3A_9 = arith.constant 0 : i32
    %dma_wait3A_10 = tpu.memref_slice %arg3[%dma_wait3A_8, %dma_wait3A_9] : memref<200x128xf32, #tpu.memory_space<hbm>> -> memref<200x128xf32, #tpu.memory_space<hbm>>
    tpu.wait_indirect_dma semaphore(%arg12 : memref<!tpu.dma_semaphore, #tpu.memory_space<semaphore_mem>>) src(%dma_wait3A_10 : memref<200x128xf32, #tpu.memory_space<hbm>>) dst(%arg11 : memref<32x128xf32, #tpu.memory_space<vmem>>)
    %mul3A_11 = arith.constant 32 : i32
    %mul3A_12 = arith.muli %add3A, %mul3A_11 : i32
    "tpu.region"() ({
      %run_scoped3A = tpu.sem_alloc : memref<!tpu.dma_semaphore, #tpu.memory_space<semaphore_mem>>
      %dma_start3A_15 = arith.constant 0 : i32
      %dma_start3A_16 = tpu.memref_slice %arg6[%mul3A_12, %dma_start3A_15] : memref<1024x128xf32, #tpu.memory_space<hbm>> -> memref<32x128xf32, #tpu.memory_space<hbm>>
      %dma_start3A_17 = arith.constant 0 : i32
      %dma_start3A_18 = tpu.memref_slice %arg6[%mul3A_12, %dma_start3A_17] : memref<1024x128xf32, #tpu.memory_space<hbm>> -> memref<32x128xf32, #tpu.memory_space<hbm>>
      tpu.enqueue_dma source(%arg10 : memref<32x128xf32, #tpu.memory_space<vmem>>) target(%dma_start3A_18 : memref<32x128xf32, #tpu.memory_space<hbm>>) target_semaphore(%run_scoped3A : memref<!tpu.dma_semaphore, #tpu.memory_space<semaphore_mem>>)
      %dma_wait3A_19 = arith.constant 0 : i32
      %dma_wait3A_20 = tpu.memref_slice %arg6[%mul3A_12, %dma_wait3A_19] : memref<1024x128xf32, #tpu.memory_space<hbm>> -> memref<32x128xf32, #tpu.memory_space<hbm>>
      %dma_wait3A_21 = arith.constant 0 : i32
      %dma_wait3A_22 = tpu.memref_slice %arg6[%mul3A_12, %dma_wait3A_21] : memref<1024x128xf32, #tpu.memory_space<hbm>> -> memref<32x128xf32, #tpu.memory_space<hbm>>
      tpu.wait_dma2 semaphore(%run_scoped3A : memref<!tpu.dma_semaphore, #tpu.memory_space<semaphore_mem>>) src(%arg10 : memref<32x128xf32, #tpu.memory_space<vmem>>) dst(%dma_wait3A_22 : memref<32x128xf32, #tpu.memory_space<hbm>>)
      tpu.yield
    }) : () -> ()
    %mul3A_13 = arith.constant 32 : i32
    %mul3A_14 = arith.muli %add3A, %mul3A_13 : i32
    "tpu.region"() ({
      %run_scoped3A = tpu.sem_alloc : memref<!tpu.dma_semaphore, #tpu.memory_space<semaphore_mem>>
      %dma_start3A_15 = arith.constant 0 : i32
      %dma_start3A_16 = tpu.memref_slice %arg7[%mul3A_14, %dma_start3A_15] : memref<1024x128xf32, #tpu.memory_space<hbm>> -> memref<32x128xf32, #tpu.memory_space<hbm>>
      %dma_start3A_17 = arith.constant 0 : i32
      %dma_start3A_18 = tpu.memref_slice %arg7[%mul3A_14, %dma_start3A_17] : memref<1024x128xf32, #tpu.memory_space<hbm>> -> memref<32x128xf32, #tpu.memory_space<hbm>>
      tpu.enqueue_dma source(%arg11 : memref<32x128xf32, #tpu.memory_space<vmem>>) target(%dma_start3A_18 : memref<32x128xf32, #tpu.memory_space<hbm>>) target_semaphore(%run_scoped3A : memref<!tpu.dma_semaphore, #tpu.memory_space<semaphore_mem>>)
      %dma_wait3A_19 = arith.constant 0 : i32
      %dma_wait3A_20 = tpu.memref_slice %arg7[%mul3A_14, %dma_wait3A_19] : memref<1024x128xf32, #tpu.memory_space<hbm>> -> memref<32x128xf32, #tpu.memory_space<hbm>>
      %dma_wait3A_21 = arith.constant 0 : i32
      %dma_wait3A_22 = tpu.memref_slice %arg7[%mul3A_14, %dma_wait3A_21] : memref<1024x128xf32, #tpu.memory_space<hbm>> -> memref<32x128xf32, #tpu.memory_space<hbm>>
      tpu.wait_dma2 semaphore(%run_scoped3A : memref<!tpu.dma_semaphore, #tpu.memory_space<semaphore_mem>>) src(%arg11 : memref<32x128xf32, #tpu.memory_space<vmem>>) dst(%dma_wait3A_22 : memref<32x128xf32, #tpu.memory_space<hbm>>)
      tpu.yield
    }) : () -> ()
    return
  }
}

module attributes {stable_mosaic.version = 14 : i64} {
  func.func @_mm_body(%arg0: i32, %arg1: memref<2000x128xf32, #tpu.memory_space<vmem>>, %arg2: memref<128x128xf32, #tpu.memory_space<vmem>>, %arg3: memref<2000x128xf32, #tpu.memory_space<vmem>>) attributes {dimension_semantics = [#tpu.dimension_semantics<arbitrary>], iteration_bounds = array<i64: 5>, scalar_prefetch = 0 : i64, scratch_operands = 0 : i64, tpu.core_type = #tpu.core_type<tc>, window_params = [{transform_indices = @transform_0, window_bounds = array<i64: 2000, 128>}, {pipeline_mode = #tpu.pipeline_mode<synchronous>, transform_indices = @transform_1, window_bounds = array<i64: 128, 128>}, {transform_indices = @transform_2, window_bounds = array<i64: 2000, 128>}]} {
    %get3A = arith.constant 0 : index
    %get3A_0 = arith.constant 0 : index
    %get3A_1 = vector.load %arg1[%get3A, %get3A_0] : memref<2000x128xf32, #tpu.memory_space<vmem>>, vector<2000x128xf32>
    %get3A_2 = arith.constant 0 : index
    %get3A_3 = arith.constant 0 : index
    %get3A_4 = vector.load %arg2[%get3A_2, %get3A_3] : memref<128x128xf32, #tpu.memory_space<vmem>>, vector<128x128xf32>
    %dot_general3A = arith.constant dense<0.000000e+00> : vector<2000x128xf32>
    %dot_general3A_5 = tpu.matmul %get3A_1, %get3A_4, %dot_general3A {dimension_numbers = #tpu.dot_dimension_numbers<[1], [0], [0], [1], [0, 0, 1, 1], [], []>, transpose_lhs_hint = false} : vector<2000x128xf32>, vector<128x128xf32>, vector<2000x128xf32> -> vector<2000x128xf32>
    %swap3A = arith.constant 0 : index
    %swap3A_6 = arith.constant 0 : index
    %swap3A_7 = vector.load %arg3[%swap3A, %swap3A_6] : memref<2000x128xf32, #tpu.memory_space<vmem>>, vector<2000x128xf32>
    tpu.vector_store %arg3[%swap3A, %swap3A_6], %dot_general3A_5 {strides = array<i32>} : memref<2000x128xf32, #tpu.memory_space<vmem>>, vector<2000x128xf32>,
    return
  }
  func.func @transform_0(%arg0: i32) -> (i32, i32) {
    %c0_i32 = arith.constant 0 : i32
    %c0_i32_0 = arith.constant 0 : i32
    return %arg0, %c0_i32 : i32, i32
  }
  func.func @transform_1(%arg0: i32) -> (i32, i32) {
    %c0_i32 = arith.constant 0 : i32
    %c0_i32_0 = arith.constant 0 : i32
    %c0_i32_1 = arith.constant 0 : i32
    return %c0_i32, %c0_i32_0 : i32, i32
  }
  func.func @transform_2(%arg0: i32) -> (i32, i32) {
    %c0_i32 = arith.constant 0 : i32
    %c0_i32_0 = arith.constant 0 : i32
    return %arg0, %c0_i32 : i32, i32
  }
}

module attributes {stable_mosaic.version = 14 : i64} {
  func.func @_gru_body(%arg0: i32, %arg1: memref<2x2000x128xf32, #tpu.memory_space<vmem>>, %arg2: memref<2000x128xf32, #tpu.memory_space<vmem>>, %arg3: memref<128x384xf32, #tpu.memory_space<vmem>>, %arg4: memref<128x384xf32, #tpu.memory_space<vmem>>, %arg5: memref<1x384xf32, #tpu.memory_space<vmem>>, %arg6: memref<1x384xf32, #tpu.memory_space<vmem>>, %arg7: memref<128x128xf32, #tpu.memory_space<vmem>>, %arg8: memref<2000x128xf32, #tpu.memory_space<vmem>>, %arg9: memref<2000x128xf32, #tpu.memory_space<vmem>>) attributes {dimension_semantics = [#tpu.dimension_semantics<arbitrary>], iteration_bounds = array<i64: 5>, scalar_prefetch = 0 : i64, scratch_operands = 0 : i64, tpu.core_type = #tpu.core_type<tc>, window_params = [{transform_indices = @transform_0, window_bounds = array<i64: 2, 2000, 128>}, {transform_indices = @transform_1, window_bounds = array<i64: 2000, 128>}, {pipeline_mode = #tpu.pipeline_mode<synchronous>, transform_indices = @transform_2, window_bounds = array<i64: 128, 384>}, {pipeline_mode = #tpu.pipeline_mode<synchronous>, transform_indices = @transform_3, window_bounds = array<i64: 128, 384>}, {pipeline_mode = #tpu.pipeline_mode<synchronous>, transform_indices = @transform_4, window_bounds = array<i64: 1, 384>}, {pipeline_mode = #tpu.pipeline_mode<synchronous>, transform_indices = @transform_5, window_bounds = array<i64: 1, 384>}, {pipeline_mode = #tpu.pipeline_mode<synchronous>, transform_indices = @transform_6, window_bounds = array<i64: 128, 128>}, {transform_indices = @transform_7, window_bounds = array<i64: 2000, 128>}, {transform_indices = @transform_8, window_bounds = array<i64: 2000, 128>}]} {
    %get3A = arith.constant 0 : index
    %get3A_0 = arith.constant 0 : index
    %get3A_1 = arith.constant 0 : index
    %get3A_2 = vector.load %arg1[%get3A, %get3A_0, %get3A_1] : memref<2x2000x128xf32, #tpu.memory_space<vmem>>, vector<1x2000x128xf32>
    %get3A_3 = vector.shape_cast %get3A_2 : vector<1x2000x128xf32> to vector<2000x128xf32>
    %get3A_4 = arith.constant 1 : index
    %get3A_5 = arith.constant 0 : index
    %get3A_6 = arith.constant 0 : index
    %get3A_7 = vector.load %arg1[%get3A_4, %get3A_5, %get3A_6] : memref<2x2000x128xf32, #tpu.memory_space<vmem>>, vector<1x2000x128xf32>
    %get3A_8 = vector.shape_cast %get3A_7 : vector<1x2000x128xf32> to vector<2000x128xf32>
    %add3A = arith.addf %get3A_3, %get3A_8 : vector<2000x128xf32>
    %get3A_9 = arith.constant 0 : index
    %get3A_10 = arith.constant 0 : index
    %get3A_11 = vector.load %arg2[%get3A_9, %get3A_10] : memref<2000x128xf32, #tpu.memory_space<vmem>>, vector<2000x128xf32>
    %get3A_12 = arith.constant 0 : index
    %get3A_13 = arith.constant 0 : index
    %get3A_14 = vector.load %arg3[%get3A_12, %get3A_13] : memref<128x384xf32, #tpu.memory_space<vmem>>, vector<128x384xf32>
    %dot_general3A = arith.constant dense<0.000000e+00> : vector<2000x384xf32>
    %dot_general3A_15 = tpu.matmul %add3A, %get3A_14, %dot_general3A {dimension_numbers = #tpu.dot_dimension_numbers<[1], [0], [0], [1], [0, 0, 1, 1], [], []>, transpose_lhs_hint = false} : vector<2000x128xf32>, vector<128x384xf32>, vector<2000x384xf32> -> vector<2000x384xf32>
    %get3A_16 = arith.constant 0 : index
    %get3A_17 = arith.constant 0 : index
    %get3A_18 = vector.load %arg5[%get3A_16, %get3A_17] : memref<1x384xf32, #tpu.memory_space<vmem>>, vector<1x384xf32>
    %add3A_19 = vector.broadcast %get3A_18 : vector<1x384xf32> to vector<2000x384xf32>
    %add3A_20 = arith.addf %dot_general3A_15, %add3A_19 : vector<2000x384xf32>
    %get3A_21 = arith.constant 0 : index
    %get3A_22 = arith.constant 0 : index
    %get3A_23 = vector.load %arg4[%get3A_21, %get3A_22] : memref<128x384xf32, #tpu.memory_space<vmem>>, vector<128x384xf32>
    %dot_general3A_24 = arith.constant dense<0.000000e+00> : vector<2000x384xf32>
    %dot_general3A_25 = tpu.matmul %get3A_11, %get3A_23, %dot_general3A_24 {dimension_numbers = #tpu.dot_dimension_numbers<[1], [0], [0], [1], [0, 0, 1, 1], [], []>, transpose_lhs_hint = false} : vector<2000x128xf32>, vector<128x384xf32>, vector<2000x384xf32> -> vector<2000x384xf32>
    %get3A_26 = arith.constant 0 : index
    %get3A_27 = arith.constant 0 : index
    %get3A_28 = vector.load %arg6[%get3A_26, %get3A_27] : memref<1x384xf32, #tpu.memory_space<vmem>>, vector<1x384xf32>
    %add3A_29 = vector.broadcast %get3A_28 : vector<1x384xf32> to vector<2000x384xf32>
    %add3A_30 = arith.addf %dot_general3A_25, %add3A_29 : vector<2000x384xf32>
    %slice3A = vector.extract_strided_slice %add3A_20 {offsets = [0, 0], sizes = [2000, 128], strides = [1, 1]} : vector<2000x384xf32> to vector<2000x128xf32>
    %slice3A_31 = vector.extract_strided_slice %add3A_30 {offsets = [0, 0], sizes = [2000, 128], strides = [1, 1]} : vector<2000x384xf32> to vector<2000x128xf32>
    %add3A_32 = arith.addf %slice3A, %slice3A_31 : vector<2000x128xf32>
    %logistic3A = arith.negf %add3A_32 : vector<2000x128xf32>
    %logistic3A_33 = math.exp %logistic3A : vector<2000x128xf32>
    %logistic3A_34 = arith.constant 1.000000e+00 : f32
    %logistic3A_35 = vector.broadcast %logistic3A_34 : f32 to vector<2000x128xf32>
    %logistic3A_36 = arith.addf %logistic3A_35, %logistic3A_33 : vector<2000x128xf32>
    %logistic3A_37 = arith.divf %logistic3A_35, %logistic3A_36 : vector<2000x128xf32>
    %slice3A_38 = vector.extract_strided_slice %add3A_20 {offsets = [0, 128], sizes = [2000, 128], strides = [1, 1]} : vector<2000x384xf32> to vector<2000x128xf32>
    %slice3A_39 = vector.extract_strided_slice %add3A_30 {offsets = [0, 128], sizes = [2000, 128], strides = [1, 1]} : vector<2000x384xf32> to vector<2000x128xf32>
    %add3A_40 = arith.addf %slice3A_38, %slice3A_39 : vector<2000x128xf32>
    %logistic3A_41 = arith.negf %add3A_40 : vector<2000x128xf32>
    %logistic3A_42 = math.exp %logistic3A_41 : vector<2000x128xf32>
    %logistic3A_43 = arith.constant 1.000000e+00 : f32
    %logistic3A_44 = vector.broadcast %logistic3A_43 : f32 to vector<2000x128xf32>
    %logistic3A_45 = arith.addf %logistic3A_44, %logistic3A_42 : vector<2000x128xf32>
    %logistic3A_46 = arith.divf %logistic3A_44, %logistic3A_45 : vector<2000x128xf32>
    %slice3A_47 = vector.extract_strided_slice %add3A_20 {offsets = [0, 256], sizes = [2000, 128], strides = [1, 1]} : vector<2000x384xf32> to vector<2000x128xf32>
    %slice3A_48 = vector.extract_strided_slice %add3A_30 {offsets = [0, 256], sizes = [2000, 128], strides = [1, 1]} : vector<2000x384xf32> to vector<2000x128xf32>
    %mul3A = arith.mulf %logistic3A_37, %slice3A_48 : vector<2000x128xf32>
    %add3A_49 = arith.addf %slice3A_47, %mul3A : vector<2000x128xf32>
    %tanh3A = math.tanh %add3A_49 : vector<2000x128xf32>
    %sub3A = arith.constant 1.000000e+00 : f32
    %sub3A_50 = vector.broadcast %sub3A : f32 to vector<2000x128xf32>
    %sub3A_51 = arith.subf %sub3A_50, %logistic3A_46 : vector<2000x128xf32>
    %mul3A_52 = arith.mulf %sub3A_51, %tanh3A : vector<2000x128xf32>
    %mul3A_53 = arith.mulf %logistic3A_46, %get3A_11 : vector<2000x128xf32>
    %add3A_54 = arith.addf %mul3A_52, %mul3A_53 : vector<2000x128xf32>
    %swap3A = arith.constant 0 : index
    %swap3A_55 = arith.constant 0 : index
    %swap3A_56 = vector.load %arg8[%swap3A, %swap3A_55] : memref<2000x128xf32, #tpu.memory_space<vmem>>, vector<2000x128xf32>
    tpu.vector_store %arg8[%swap3A, %swap3A_55], %add3A_54 {strides = array<i32>} : memref<2000x128xf32, #tpu.memory_space<vmem>>, vector<2000x128xf32>,
    %get3A_57 = arith.constant 0 : index
    %get3A_58 = arith.constant 0 : index
    %get3A_59 = vector.load %arg7[%get3A_57, %get3A_58] : memref<128x128xf32, #tpu.memory_space<vmem>>, vector<128x128xf32>
    %dot_general3A_60 = arith.constant dense<0.000000e+00> : vector<2000x128xf32>
    %dot_general3A_61 = tpu.matmul %add3A_54, %get3A_59, %dot_general3A_60 {dimension_numbers = #tpu.dot_dimension_numbers<[1], [0], [0], [1], [0, 0, 1, 1], [], []>, transpose_lhs_hint = false} : vector<2000x128xf32>, vector<128x128xf32>, vector<2000x128xf32> -> vector<2000x128xf32>
    %swap3A_62 = arith.constant 0 : index
    %swap3A_63 = arith.constant 0 : index
    %swap3A_64 = vector.load %arg9[%swap3A_62, %swap3A_63] : memref<2000x128xf32, #tpu.memory_space<vmem>>, vector<2000x128xf32>
    tpu.vector_store %arg9[%swap3A_62, %swap3A_63], %dot_general3A_61 {strides = array<i32>} : memref<2000x128xf32, #tpu.memory_space<vmem>>, vector<2000x128xf32>,
    return
  }
  func.func @transform_0(%arg0: i32) -> (i32, i32, i32) {
    %c0_i32 = arith.constant 0 : i32
    %c0_i32_0 = arith.constant 0 : i32
    %c0_i32_1 = arith.constant 0 : i32
    return %c0_i32, %arg0, %c0_i32_0 : i32, i32, i32
  }
  func.func @transform_1(%arg0: i32) -> (i32, i32) {
    %c0_i32 = arith.constant 0 : i32
    %c0_i32_0 = arith.constant 0 : i32
    return %arg0, %c0_i32 : i32, i32
  }
  func.func @transform_2(%arg0: i32) -> (i32, i32) {
    %c0_i32 = arith.constant 0 : i32
    %c0_i32_0 = arith.constant 0 : i32
    %c0_i32_1 = arith.constant 0 : i32
    return %c0_i32, %c0_i32_0 : i32, i32
  }
  func.func @transform_3(%arg0: i32) -> (i32, i32) {
    %c0_i32 = arith.constant 0 : i32
    %c0_i32_0 = arith.constant 0 : i32
    %c0_i32_1 = arith.constant 0 : i32
    return %c0_i32, %c0_i32_0 : i32, i32
  }
  func.func @transform_4(%arg0: i32) -> (i32, i32) {
    %c0_i32 = arith.constant 0 : i32
    %c0_i32_0 = arith.constant 0 : i32
    %c0_i32_1 = arith.constant 0 : i32
    return %c0_i32, %c0_i32_0 : i32, i32
  }
  func.func @transform_5(%arg0: i32) -> (i32, i32) {
    %c0_i32 = arith.constant 0 : i32
    %c0_i32_0 = arith.constant 0 : i32
    %c0_i32_1 = arith.constant 0 : i32
    return %c0_i32, %c0_i32_0 : i32, i32
  }
  func.func @transform_6(%arg0: i32) -> (i32, i32) {
    %c0_i32 = arith.constant 0 : i32
    %c0_i32_0 = arith.constant 0 : i32
    %c0_i32_1 = arith.constant 0 : i32
    return %c0_i32, %c0_i32_0 : i32, i32
  }
  func.func @transform_7(%arg0: i32) -> (i32, i32) {
    %c0_i32 = arith.constant 0 : i32
    %c0_i32_0 = arith.constant 0 : i32
    return %arg0, %c0_i32 : i32, i32
  }
  func.func @transform_8(%arg0: i32) -> (i32, i32) {
    %c0_i32 = arith.constant 0 : i32
    %c0_i32_0 = arith.constant 0 : i32
    return %arg0, %c0_i32 : i32, i32
  }
}

module attributes {stable_mosaic.version = 14 : i64} {
  func.func @_gru_body(%arg0: i32, %arg1: memref<2x2000x128xf32, #tpu.memory_space<vmem>>, %arg2: memref<2000x128xf32, #tpu.memory_space<vmem>>, %arg3: memref<128x384xf32, #tpu.memory_space<vmem>>, %arg4: memref<128x384xf32, #tpu.memory_space<vmem>>, %arg5: memref<1x384xf32, #tpu.memory_space<vmem>>, %arg6: memref<1x384xf32, #tpu.memory_space<vmem>>, %arg7: memref<128x128xf32, #tpu.memory_space<vmem>>, %arg8: memref<2000x128xf32, #tpu.memory_space<vmem>>, %arg9: memref<2000x128xf32, #tpu.memory_space<vmem>>) attributes {dimension_semantics = [#tpu.dimension_semantics<arbitrary>], iteration_bounds = array<i64: 5>, scalar_prefetch = 0 : i64, scratch_operands = 0 : i64, tpu.core_type = #tpu.core_type<tc>, window_params = [{transform_indices = @transform_0, window_bounds = array<i64: 2, 2000, 128>}, {transform_indices = @transform_1, window_bounds = array<i64: 2000, 128>}, {pipeline_mode = #tpu.pipeline_mode<synchronous>, transform_indices = @transform_2, window_bounds = array<i64: 128, 384>}, {pipeline_mode = #tpu.pipeline_mode<synchronous>, transform_indices = @transform_3, window_bounds = array<i64: 128, 384>}, {pipeline_mode = #tpu.pipeline_mode<synchronous>, transform_indices = @transform_4, window_bounds = array<i64: 1, 384>}, {pipeline_mode = #tpu.pipeline_mode<synchronous>, transform_indices = @transform_5, window_bounds = array<i64: 1, 384>}, {pipeline_mode = #tpu.pipeline_mode<synchronous>, transform_indices = @transform_6, window_bounds = array<i64: 128, 128>}, {transform_indices = @transform_7, window_bounds = array<i64: 2000, 128>}, {transform_indices = @transform_8, window_bounds = array<i64: 2000, 128>}]} {
    %get3A = arith.constant 0 : index
    %get3A_0 = arith.constant 0 : index
    %get3A_1 = arith.constant 0 : index
    %get3A_2 = vector.load %arg1[%get3A, %get3A_0, %get3A_1] : memref<2x2000x128xf32, #tpu.memory_space<vmem>>, vector<1x2000x128xf32>
    %get3A_3 = vector.shape_cast %get3A_2 : vector<1x2000x128xf32> to vector<2000x128xf32>
    %get3A_4 = arith.constant 1 : index
    %get3A_5 = arith.constant 0 : index
    %get3A_6 = arith.constant 0 : index
    %get3A_7 = vector.load %arg1[%get3A_4, %get3A_5, %get3A_6] : memref<2x2000x128xf32, #tpu.memory_space<vmem>>, vector<1x2000x128xf32>
    %get3A_8 = vector.shape_cast %get3A_7 : vector<1x2000x128xf32> to vector<2000x128xf32>
    %add3A = arith.addf %get3A_3, %get3A_8 : vector<2000x128xf32>
    %get3A_9 = arith.constant 0 : index
    %get3A_10 = arith.constant 0 : index
    %get3A_11 = vector.load %arg2[%get3A_9, %get3A_10] : memref<2000x128xf32, #tpu.memory_space<vmem>>, vector<2000x128xf32>
    %get3A_12 = arith.constant 0 : index
    %get3A_13 = arith.constant 0 : index
    %get3A_14 = vector.load %arg3[%get3A_12, %get3A_13] : memref<128x384xf32, #tpu.memory_space<vmem>>, vector<128x384xf32>
    %dot_general3A = arith.constant dense<0.000000e+00> : vector<2000x384xf32>
    %dot_general3A_15 = tpu.matmul %add3A, %get3A_14, %dot_general3A {dimension_numbers = #tpu.dot_dimension_numbers<[1], [0], [0], [1], [0, 0, 1, 1], [], []>, transpose_lhs_hint = false} : vector<2000x128xf32>, vector<128x384xf32>, vector<2000x384xf32> -> vector<2000x384xf32>
    %get3A_16 = arith.constant 0 : index
    %get3A_17 = arith.constant 0 : index
    %get3A_18 = vector.load %arg5[%get3A_16, %get3A_17] : memref<1x384xf32, #tpu.memory_space<vmem>>, vector<1x384xf32>
    %add3A_19 = vector.broadcast %get3A_18 : vector<1x384xf32> to vector<2000x384xf32>
    %add3A_20 = arith.addf %dot_general3A_15, %add3A_19 : vector<2000x384xf32>
    %get3A_21 = arith.constant 0 : index
    %get3A_22 = arith.constant 0 : index
    %get3A_23 = vector.load %arg4[%get3A_21, %get3A_22] : memref<128x384xf32, #tpu.memory_space<vmem>>, vector<128x384xf32>
    %dot_general3A_24 = arith.constant dense<0.000000e+00> : vector<2000x384xf32>
    %dot_general3A_25 = tpu.matmul %get3A_11, %get3A_23, %dot_general3A_24 {dimension_numbers = #tpu.dot_dimension_numbers<[1], [0], [0], [1], [0, 0, 1, 1], [], []>, transpose_lhs_hint = false} : vector<2000x128xf32>, vector<128x384xf32>, vector<2000x384xf32> -> vector<2000x384xf32>
    %get3A_26 = arith.constant 0 : index
    %get3A_27 = arith.constant 0 : index
    %get3A_28 = vector.load %arg6[%get3A_26, %get3A_27] : memref<1x384xf32, #tpu.memory_space<vmem>>, vector<1x384xf32>
    %add3A_29 = vector.broadcast %get3A_28 : vector<1x384xf32> to vector<2000x384xf32>
    %add3A_30 = arith.addf %dot_general3A_25, %add3A_29 : vector<2000x384xf32>
    %slice3A = vector.extract_strided_slice %add3A_20 {offsets = [0, 0], sizes = [2000, 128], strides = [1, 1]} : vector<2000x384xf32> to vector<2000x128xf32>
    %slice3A_31 = vector.extract_strided_slice %add3A_30 {offsets = [0, 0], sizes = [2000, 128], strides = [1, 1]} : vector<2000x384xf32> to vector<2000x128xf32>
    %add3A_32 = arith.addf %slice3A, %slice3A_31 : vector<2000x128xf32>
    %logistic3A = arith.negf %add3A_32 : vector<2000x128xf32>
    %logistic3A_33 = math.exp %logistic3A : vector<2000x128xf32>
    %logistic3A_34 = arith.constant 1.000000e+00 : f32
    %logistic3A_35 = vector.broadcast %logistic3A_34 : f32 to vector<2000x128xf32>
    %logistic3A_36 = arith.addf %logistic3A_35, %logistic3A_33 : vector<2000x128xf32>
    %logistic3A_37 = arith.divf %logistic3A_35, %logistic3A_36 : vector<2000x128xf32>
    %slice3A_38 = vector.extract_strided_slice %add3A_20 {offsets = [0, 128], sizes = [2000, 128], strides = [1, 1]} : vector<2000x384xf32> to vector<2000x128xf32>
    %slice3A_39 = vector.extract_strided_slice %add3A_30 {offsets = [0, 128], sizes = [2000, 128], strides = [1, 1]} : vector<2000x384xf32> to vector<2000x128xf32>
    %add3A_40 = arith.addf %slice3A_38, %slice3A_39 : vector<2000x128xf32>
    %logistic3A_41 = arith.negf %add3A_40 : vector<2000x128xf32>
    %logistic3A_42 = math.exp %logistic3A_41 : vector<2000x128xf32>
    %logistic3A_43 = arith.constant 1.000000e+00 : f32
    %logistic3A_44 = vector.broadcast %logistic3A_43 : f32 to vector<2000x128xf32>
    %logistic3A_45 = arith.addf %logistic3A_44, %logistic3A_42 : vector<2000x128xf32>
    %logistic3A_46 = arith.divf %logistic3A_44, %logistic3A_45 : vector<2000x128xf32>
    %slice3A_47 = vector.extract_strided_slice %add3A_20 {offsets = [0, 256], sizes = [2000, 128], strides = [1, 1]} : vector<2000x384xf32> to vector<2000x128xf32>
    %slice3A_48 = vector.extract_strided_slice %add3A_30 {offsets = [0, 256], sizes = [2000, 128], strides = [1, 1]} : vector<2000x384xf32> to vector<2000x128xf32>
    %mul3A = arith.mulf %logistic3A_37, %slice3A_48 : vector<2000x128xf32>
    %add3A_49 = arith.addf %slice3A_47, %mul3A : vector<2000x128xf32>
    %tanh3A = math.tanh %add3A_49 : vector<2000x128xf32>
    %sub3A = arith.constant 1.000000e+00 : f32
    %sub3A_50 = vector.broadcast %sub3A : f32 to vector<2000x128xf32>
    %sub3A_51 = arith.subf %sub3A_50, %logistic3A_46 : vector<2000x128xf32>
    %mul3A_52 = arith.mulf %sub3A_51, %tanh3A : vector<2000x128xf32>
    %mul3A_53 = arith.mulf %logistic3A_46, %get3A_11 : vector<2000x128xf32>
    %add3A_54 = arith.addf %mul3A_52, %mul3A_53 : vector<2000x128xf32>
    %swap3A = arith.constant 0 : index
    %swap3A_55 = arith.constant 0 : index
    %swap3A_56 = vector.load %arg8[%swap3A, %swap3A_55] : memref<2000x128xf32, #tpu.memory_space<vmem>>, vector<2000x128xf32>
    tpu.vector_store %arg8[%swap3A, %swap3A_55], %add3A_54 {strides = array<i32>} : memref<2000x128xf32, #tpu.memory_space<vmem>>, vector<2000x128xf32>,
    %get3A_57 = arith.constant 0 : index
    %get3A_58 = arith.constant 0 : index
    %get3A_59 = vector.load %arg7[%get3A_57, %get3A_58] : memref<128x128xf32, #tpu.memory_space<vmem>>, vector<128x128xf32>
    %dot_general3A_60 = arith.constant dense<0.000000e+00> : vector<2000x128xf32>
    %dot_general3A_61 = tpu.matmul %add3A_54, %get3A_59, %dot_general3A_60 {dimension_numbers = #tpu.dot_dimension_numbers<[1], [0], [0], [1], [0, 0, 1, 1], [], []>, transpose_lhs_hint = false} : vector<2000x128xf32>, vector<128x128xf32>, vector<2000x128xf32> -> vector<2000x128xf32>
    %swap3A_62 = arith.constant 0 : index
    %swap3A_63 = arith.constant 0 : index
    %swap3A_64 = vector.load %arg9[%swap3A_62, %swap3A_63] : memref<2000x128xf32, #tpu.memory_space<vmem>>, vector<2000x128xf32>
    tpu.vector_store %arg9[%swap3A_62, %swap3A_63], %dot_general3A_61 {strides = array<i32>} : memref<2000x128xf32, #tpu.memory_space<vmem>>, vector<2000x128xf32>,
    return
  }
  func.func @transform_0(%arg0: i32) -> (i32, i32, i32) {
    %c0_i32 = arith.constant 0 : i32
    %c0_i32_0 = arith.constant 0 : i32
    %c0_i32_1 = arith.constant 0 : i32
    return %c0_i32, %arg0, %c0_i32_0 : i32, i32, i32
  }
  func.func @transform_1(%arg0: i32) -> (i32, i32) {
    %c0_i32 = arith.constant 0 : i32
    %c0_i32_0 = arith.constant 0 : i32
    return %arg0, %c0_i32 : i32, i32
  }
  func.func @transform_2(%arg0: i32) -> (i32, i32) {
    %c0_i32 = arith.constant 0 : i32
    %c0_i32_0 = arith.constant 0 : i32
    %c0_i32_1 = arith.constant 0 : i32
    return %c0_i32, %c0_i32_0 : i32, i32
  }
  func.func @transform_3(%arg0: i32) -> (i32, i32) {
    %c0_i32 = arith.constant 0 : i32
    %c0_i32_0 = arith.constant 0 : i32
    %c0_i32_1 = arith.constant 0 : i32
    return %c0_i32, %c0_i32_0 : i32, i32
  }
  func.func @transform_4(%arg0: i32) -> (i32, i32) {
    %c0_i32 = arith.constant 0 : i32
    %c0_i32_0 = arith.constant 0 : i32
    %c0_i32_1 = arith.constant 0 : i32
    return %c0_i32, %c0_i32_0 : i32, i32
  }
  func.func @transform_5(%arg0: i32) -> (i32, i32) {
    %c0_i32 = arith.constant 0 : i32
    %c0_i32_0 = arith.constant 0 : i32
    %c0_i32_1 = arith.constant 0 : i32
    return %c0_i32, %c0_i32_0 : i32, i32
  }
  func.func @transform_6(%arg0: i32) -> (i32, i32) {
    %c0_i32 = arith.constant 0 : i32
    %c0_i32_0 = arith.constant 0 : i32
    %c0_i32_1 = arith.constant 0 : i32
    return %c0_i32, %c0_i32_0 : i32, i32
  }
  func.func @transform_7(%arg0: i32) -> (i32, i32) {
    %c0_i32 = arith.constant 0 : i32
    %c0_i32_0 = arith.constant 0 : i32
    return %arg0, %c0_i32 : i32, i32
  }
  func.func @transform_8(%arg0: i32) -> (i32, i32) {
    %c0_i32 = arith.constant 0 : i32
    %c0_i32_0 = arith.constant 0 : i32
    return %arg0, %c0_i32 : i32, i32
  }
}

module attributes {stable_mosaic.version = 14 : i64} {
  func.func @_score_body(%arg0: i32, %arg1: memref<1024x128xf32, #tpu.memory_space<vmem>>, %arg2: memref<1024x128xf32, #tpu.memory_space<vmem>>, %arg3: memref<1280x128xf32, #tpu.memory_space<vmem>>, %arg4: memref<1024x1280xf32, #tpu.memory_space<vmem>>) attributes {dimension_semantics = [#tpu.dimension_semantics<arbitrary>], iteration_bounds = array<i64: 8>, scalar_prefetch = 0 : i64, scratch_operands = 0 : i64, tpu.core_type = #tpu.core_type<tc>, window_params = [{pipeline_mode = #tpu.pipeline_mode<synchronous>, transform_indices = @transform_0, window_bounds = array<i64: 1024, 128>}, {pipeline_mode = #tpu.pipeline_mode<synchronous>, transform_indices = @transform_1, window_bounds = array<i64: 1024, 128>}, {transform_indices = @transform_2, window_bounds = array<i64: 1280, 128>}, {transform_indices = @transform_3, window_bounds = array<i64: 1024, 1280>}]} {
    %get3A = arith.constant 0 : index
    %get3A_0 = arith.constant 0 : index
    %get3A_1 = vector.load %arg1[%get3A, %get3A_0] : memref<1024x128xf32, #tpu.memory_space<vmem>>, vector<1024x128xf32>
    %get3A_2 = arith.constant 0 : index
    %get3A_3 = arith.constant 0 : index
    %get3A_4 = vector.load %arg2[%get3A_2, %get3A_3] : memref<1024x128xf32, #tpu.memory_space<vmem>>, vector<1024x128xf32>
    %mul3A = arith.mulf %get3A_1, %get3A_4 : vector<1024x128xf32>
    %get3A_5 = arith.constant 0 : index
    %get3A_6 = arith.constant 0 : index
    %get3A_7 = vector.load %arg3[%get3A_5, %get3A_6] : memref<1280x128xf32, #tpu.memory_space<vmem>>, vector<1280x128xf32>
    %dot_general3A = arith.constant dense<0.000000e+00> : vector<1024x1280xf32>
    %dot_general3A_8 = tpu.matmul %mul3A, %get3A_7, %dot_general3A {dimension_numbers = #tpu.dot_dimension_numbers<[1], [1], [0], [0], [0, 0, 1, 0], [], []>, transpose_lhs_hint = false} : vector<1024x128xf32>, vector<1280x128xf32>, vector<1024x1280xf32> -> vector<1024x1280xf32>
    %logistic3A = arith.negf %dot_general3A_8 : vector<1024x1280xf32>
    %logistic3A_9 = math.exp %logistic3A : vector<1024x1280xf32>
    %logistic3A_10 = arith.constant 1.000000e+00 : f32
    %logistic3A_11 = vector.broadcast %logistic3A_10 : f32 to vector<1024x1280xf32>
    %logistic3A_12 = arith.addf %logistic3A_11, %logistic3A_9 : vector<1024x1280xf32>
    %logistic3A_13 = arith.divf %logistic3A_11, %logistic3A_12 : vector<1024x1280xf32>
    %swap3A = arith.constant 0 : index
    %swap3A_14 = arith.constant 0 : index
    %swap3A_15 = vector.load %arg4[%swap3A, %swap3A_14] : memref<1024x1280xf32, #tpu.memory_space<vmem>>, vector<1024x1280xf32>
    tpu.vector_store %arg4[%swap3A, %swap3A_14], %logistic3A_13 {strides = array<i32>} : memref<1024x1280xf32, #tpu.memory_space<vmem>>, vector<1024x1280xf32>,
    return
  }
  func.func @transform_0(%arg0: i32) -> (i32, i32) {
    %c0_i32 = arith.constant 0 : i32
    %c0_i32_0 = arith.constant 0 : i32
    %c0_i32_1 = arith.constant 0 : i32
    return %c0_i32, %c0_i32_0 : i32, i32
  }
  func.func @transform_1(%arg0: i32) -> (i32, i32) {
    %c0_i32 = arith.constant 0 : i32
    %c0_i32_0 = arith.constant 0 : i32
    %c0_i32_1 = arith.constant 0 : i32
    return %c0_i32, %c0_i32_0 : i32, i32
  }
  func.func @transform_2(%arg0: i32) -> (i32, i32) {
    %c0_i32 = arith.constant 0 : i32
    %c0_i32_0 = arith.constant 0 : i32
    return %arg0, %c0_i32 : i32, i32
  }
  func.func @transform_3(%arg0: i32) -> (i32, i32) {
    %c0_i32 = arith.constant 0 : i32
    %c0_i32_0 = arith.constant 0 : i32
    return %c0_i32, %arg0 : i32, i32
  }
}

</mosaic_0001>

<sc_bundles>
// kernel: kernel.12.cloned.1.call-start
scs
__scs_entry_jumppad:
0x0: {  	(pc) =	sbr.rel $0x88, $3  }
0x1: {  	(tag) =	ssettag $0x0;
	lr =	simm.s32 $0x1  }
0x2: {  	[smem:$0x3F97] =	sst lr;
	_ =	strace $0xD0000000  }
0x3: {  	_ = 	snop  }
0x4: {  	_ = 	snop  }
0x5: {  	_ = 	snop  }
0x6: {  	_ = 	snop  }
0x7: {  	_ = 	snop  }
__scs_overlays_trampoline_lowered:
0x8: {  	[smem:$0x3FA6] =	sst s0  }
0x9: {  	[smem:$0x3FA7] =	sst s1  }
0xa: {  	[smem:$0x3FA8] =	sst s2  }
0xb: {  	[smem:$0x3FA9] =	sst s3  }
0xc: {  	[smem:$0x3FAA] =	sst s4  }
0xd: {  	[smem:$0x3FAB] =	sst s5  }
0xe: {  	[smem:$0x3FAC] =	sst s6  }
0xf: {  	[smem:$0x3FAD] =	sst s7  }
0x10: {  	[smem:$0x3FAE] =	sst s8  }
0x11: {  	[smem:$0x3FAF] =	sst s9;
	s0 =	simm.s32 @!p0 $0x0  }
0x12: {  	s1 =	sld [smem:$0x3F95];
	s0 =	simm.s32 @p0 $0x1  }
0x13: {  	[smem:$0x3FB0] =	sst s0;
	s0 =	simm.s32 @!p1 $0x0  }
0x14: {  	s2 =	sld [smem:$0x3F94];
	s0 =	simm.s32 @p1 $0x1  }
0x15: {  	[smem:$0x3FB1] =	sst s0;
	s0 =	simm.s32 @!p2 $0x0  }
0x16: {  	s3 =	sld [smem:$0x3FDB];
	s0 =	simm.s32 @p2 $0x1  }
0x17: {  	s4 =	simm.s32 $0x1BF5;
	[smem:$0x3FB3] =	sst s0  }
0x18: {  	s0 =	sld [smem:$0x3F96];
	_ =	swait.ge [sflag:s4], $0x0  }
0x19: {  	s7 =	sld [smem:$0x3F97]  }
0x1a: {  	s8 =	sadd.s32 $0xFFFFE003, lr  }
0x1b: {  	s9 =	sadd.s32 $0xFFFFFEF7, lr;
	s5 =	simm.s32 $0xFFFFFFFF;
	p2 =	slt.u32 s8, $0xFFFFF086  }
0x1c: {  	p1 =	slt.u32 s9, $0xF7A;
	s5 =	simm.s32 @!p2 $0x0  }
0x1d: {  	s5 =	simm.s32 @p1 $0x1;
	p0 =	seq.s32 s7, s2  }
0x1e: {  	s7 =	smul.u32 @!p0 $0xF7A, s2;
	p2 =	seq.s32 @!p0 s5, $0x0  }
0x1f: {  	s9 =	smul.u32 $0xF7A, s1;
	s8 =	simm.s32 @!p0 $0x1BF5;
	p2 =	por !p2, p0  }
0x20: {  	[sflag:s8] =	ssyncset.s32 @!p0 $0xFFFFF086;
	s6 =	sadd.s32 @!p0 s3, s7;
	s7 =	simm.s32 @!p0 $0x108  }
0x21: {  	s3 =	sadd.s32 s3, s9;
	s6 =	sadd.s32 @!p0 $0x88, s6;
	s7 =	simm.s32 @p2 $0x1082  }
0x22: {  	[simem:s7], [sflag:s8] =	dma.local @!p0 [hbm:s6], $0xF7A  }
0x23: {  	s9 =	sor.u32 $0xD0000000, s2;
	s6 =	simm.s32 $0x108;
	_ =	swait.ge @!p0 [sflag:s8], $0x0  }
0x24: {  	s3 =	sadd.s32 $0x88, s3;
	s6 =	simm.s32 @!p1 $0x1082;
	[sflag:s4] =	ssyncset.s32 $0xFFFFF086  }
0x25: {  	[simem:s6], [sflag:s4] =	dma.local [hbm:s3], $0xF7A  }
0x26: {  	[smem:$0x3F97] =	sst s1;
	(tag) =	ssettag s2;
	_ =	strace s9  }
0x27: {  	s1 =	sld [smem:$0x3FA7]  }
0x28: {  	s2 =	sld [smem:$0x3FA8]  }
0x29: {  	s4 =	sld [smem:$0x3FAA]  }
0x2a: {  	p0 =	seq.s32 s5, $0x0;
	s5 =	sld [smem:$0x3FAB]  }
0x2b: {  	s6 =	sld [smem:$0x3FAC]  }
0x2c: {  	s7 =	sld [smem:$0x3FAD]  }
0x2d: {  	s3 =	simm.s32 $0x108;
	s8 =	sld [smem:$0x3FAE]  }
0x2e: {  	s3 =	simm.s32 @!p0 $0x1082;
	s9 =	sld [smem:$0x3FAF]  }
0x2f: {  	lr =	sadd.s32 s0, s3;
	s0 =	sld [smem:$0x3FA6]  }
0x30: {  	s3 =	sld [smem:$0x3FA9]  }
0x31: {  	[smem:$0x3FB2] =	sst s10  }
0x32: {  	s10 =	sld [smem:$0x3FB0];
	_ =	sdelay $0x3  }
0x33: {  	p0 =	seq.s32 s10, $0x1;
	s10 =	sld [smem:$0x3FB2];
	_ =	sdelay $0x3  }
0x34: {  	[smem:$0x3FB2] =	sst s10  }
0x35: {  	s10 =	sld [smem:$0x3FB1];
	_ =	sdelay $0x3  }
0x36: {  	p1 =	seq.s32 s10, $0x1;
	s10 =	sld [smem:$0x3FB2];
	_ =	sdelay $0x3  }
0x37: {  	[smem:$0x3FB2] =	sst s10  }
0x38: {  	s10 =	sld [smem:$0x3FB3]  }
0x39: {  	_ = 	snop;
	(pc) =	sbr.ind lr, $3  }
0x3a: {  	_ = 	snop  }
0x3b: {  	_ = 	snop  }
0x3c: {  	p2 =	seq.s32 s10, $0x1;
	s10 =	sld [smem:$0x3FB2]  }
0x3d: {  	_ =	shalt  }
0x3e: {  	_ =	shalt  }
0x3f: {  	_ =	shalt  }
0x40: {  	_ =	shalt  }
0x41: {  	_ =	shalt  }
0x42: {  	_ =	shalt  }
0x43: {  	_ =	shalt  }
0x44: {  	_ =	shalt  }
0x45: {  	_ =	shalt  }
0x46: {  	_ =	shalt  }
0x47: {  	_ =	shalt  }
0x48: {  	_ =	shalt  }
0x49: {  	_ =	shalt  }
0x4a: {  	_ =	shalt  }
0x4b: {  	_ =	shalt  }
0x4c: {  	_ =	shalt  }
0x4d: {  	_ =	shalt  }
0x4e: {  	_ =	shalt  }
0x4f: {  	_ =	shalt  }
0x50: {  	_ =	shalt  }
0x51: {  	_ =	shalt  }
0x52: {  	_ =	shalt  }
0x53: {  	_ =	shalt  }
0x54: {  	_ =	shalt  }
0x55: {  	_ =	shalt  }
0x56: {  	_ =	shalt  }
0x57: {  	_ =	shalt  }
0x58: {  	_ =	shalt  }
0x59: {  	_ =	shalt  }
0x5a: {  	_ =	shalt  }
0x5b: {  	_ =	shalt  }
0x5c: {  	_ =	shalt  }
0x5d: {  	_ =	shalt  }
0x5e: {  	_ =	shalt  }
0x5f: {  	_ =	shalt  }
0x60: {  	_ =	shalt  }
0x61: {  	_ =	shalt  }
0x62: {  	_ =	shalt  }
0x63: {  	_ =	shalt  }
0x64: {  	_ =	shalt  }
0x65: {  	_ =	shalt  }
0x66: {  	_ =	shalt  }
0x67: {  	_ =	shalt  }
0x68: {  	_ =	shalt  }
0x69: {  	_ =	shalt  }
0x6a: {  	_ =	shalt  }
0x6b: {  	_ =	shalt  }
0x6c: {  	_ =	shalt  }
0x6d: {  	_ =	shalt  }
0x6e: {  	_ =	shalt  }
0x6f: {  	_ =	shalt  }
0x70: {  	_ =	shalt  }
0x71: {  	_ =	shalt  }
0x72: {  	_ =	shalt  }
0x73: {  	_ =	shalt  }
0x74: {  	_ =	shalt  }
0x75: {  	_ =	shalt  }
0x76: {  	_ =	shalt  }
0x77: {  	_ =	shalt  }
0x78: {  	_ =	shalt  }
0x79: {  	_ =	shalt  }
0x7a: {  	_ =	shalt  }
0x7b: {  	_ =	shalt  }
0x7c: {  	_ =	shalt  }
0x7d: {  	_ =	shalt  }
0x7e: {  	_ =	shalt  }
0x7f: {  	_ =	shalt  }
0x80: {  	_ =	shalt  }
0x81: {  	_ =	shalt  }
0x82: {  	_ =	shalt  }
0x83: {  	_ =	shalt  }
0x84: {  	_ =	shalt  }
0x85: {  	_ =	shalt  }
0x86: {  	_ =	shalt  }
0x87: {  	_ =	shalt  }
.Lfunc_end0:
.L_simem_size_0:
called_computation.2_lowered:
.L_overlay_start_0:
0x88: {  	s2 =	sld [smem:$0x3FD9]  }
0x89: {  	s3 =	sld [smem:$0x3FFE];
	_ =	sdelay $0x1  }
0x8a: {  	s1 =	srdreg.scid  }
0x8b: {  	s0 =	sand.u32 $0x1, s1  }
0x8c: {  	s17 =	sshll.u32 s0, $0xA;
	s2 =	sadd.s32 s3, s2  }
0x8d: {  	s2 =	sadd.s32 s2, s17  }
0x8e: {  	[smem:$0x3FBE] =	sst s2  }
0x8f: {  	_ = 	snop  }
0x90: {  	s2 =	sld [smem:$0x3FD0];
	(tm) =	ssettm $0x1  }
0x91: {  	s18 =	sld [smem:$0x3FFB];
	_ =	sdelay $0x3  }
0x92: {  	_ =	strace s18  }
0x93: {  	s3 =	sld [smem:$0x3FFC];
	_ =	sdelay $0x3  }
0x94: {  	_ =	strace s3  }
0x95: {  	s3 =	sld [smem:$0x3FFD];
	_ =	sdelay $0x3  }
0x96: {  	_ =	strace s3  }
0x97: {  	_ =	strace $0x8FFFFFFF  }
0x98: {  	s19 =	sld [smem:$0x3FDB];
	_ =	sdelay $0x1  }
0x99: {  	s4 =	simm.s32 $_scs_section_size  }
0x9a: {  	s5 =	simm.s32 $_size__tile_overlayer_lowered;
	s6 =	simm.s32 $_tile_overlayer_lowered  }
0x9b: {  	s22 =	simm.s32 $0x1BFF;
	s21 =	sshll.u32 s6, $0x1;
	s3 =	sadd.s32 s4, s19  }
0x9c: {  	s7 =	simm.s32 $0x0;
	s20 =	sshll.u32 s5, $0x1;
	s5 =	sadd.s32 s21, s3  }
0x9d: {  	[timem:s7], [sflag:s22] =	dma.local [hbm:s5], s20  }
0x9e: {  	_ =	swait.ge [sflag:s22], s20  }
0x9f: {  	s4 =	ssub.s32 $0x0, s20;
	[sflag:s22] =	ssyncset.done $0x0  }
0xa0: {  	[sflag:s22] =	ssyncadd.s32 s4;
	_ =	sdelay $0x1  }
0xa1: {  	s23 =	simm.s32 $0x1B8B  }
0xa2: {  	_ =	swait.ge [sflag:s23], $0x1  }
0xa3: {  	[sflag:s23] =	ssyncset.done $0x0  }
0xa4: {  	s25 =	simm.s32 $0x1B8E;
	s24 =	sld [smem:$0x3FFE];
	[sflag:s23] =	ssyncadd.s32 $0xFFFFFFFF  }
0xa5: {  	s26 =	simm.s32 $execute0_lowered;
	[smem:$0x3FD2] =	sst s25  }
0xa6: {  	s5 =	sshll.u32 s26, $0x1;
	_ =	strace $0x80000049;
	[dreg:$0x1] =	wrdreg $0xFFFFFFFF  }
0xa7: {  	s28 =	simm.s32 $_size_execute0_lowered;
	s3 =	sadd.s32 s3, s5;
	[dreg:$0x0] =	wrdreg $0x0  }
0xa8: {  	s5 =	sshll.u32 s28, $0x1;
	[dreg:$0x2] =	wrdreg s3  }
0xa9: {  	[dreg:$0x3] =	wrdreg s5  }
0xaa: {  	[dreg:$0x4] =	wrdreg $0xC0  }
0xab: {  	_ =	task [dreg:s7], $0x5FFFF  }
0xac: {  	[dreg:$0x1] =	wrdreg $0xFFFFFFFF  }
0xad: {  	[dreg:$0x0] =	wrdreg $0x60  }
0xae: {  	[dreg:$0x2] =	wrdreg s24  }
0xaf: {  	[dreg:$0x3] =	wrdreg s2  }
0xb0: {  	[dreg:$0x4] =	wrdreg $0x41000  }
0xb1: {  	[dreg:$0x5] =	wrdreg $0x9  }
0xb2: {  	_ =	task.clear_ibuf [dreg:s7], $0x6FFFF;
	_ =	strace $0x90000049  }
0xb3: {  	s29 =	simm.s32 $0x9;
	_ =	strace $0x8000004B  }
0xb4: {  	_ =	swait.ge [sflag:s29], $0x1  }
0xb5: {  	[sflag:s29] =	ssyncadd.s32 $0xFFFFFFFF  }
0xb6: {  	_ =	strace $0x9000004B  }
0xb7: {  	_ =	sfence  }
0xb8: {  	s30 =	sld [smem:$0x0];
	_ =	sdelay $0x2  }
0xb9: {  	s31 =	sshll.u32 s1, $0xD;
	s1 =	sshrl.u32 s1, $0x2  }
0xba: {  	s3 =	sand.u32 $0x4000, s31;
	s1 =	sadd.s32 s1, s30  }
0xbb: {  	s0 =	sor.u32 s3, s0;
	s1 =	sshll.u32 s1, $0x11  }
0xbc: {  	s0 =	sor.u32 s1, s0  }
0xbd: {  	s0 =	sadd.s32 $0x8F2B, s0  }
0xbe: {  	[sflag:s0] =	ssyncadd.remote.s32 $0x1  }
0xbf: {  	_ =	sfence.sel $0xFFFF  }
0xc0: {  	[dreg:$0x0] =	wrdreg $0xFFFFFFFF;
	(pc) =	sbr.abs _section_cstart, $3  }
0xc1: {  	[dreg:$0x1] =	wrdreg $0xFFFFFFFF  }
0xc2: {  	_ =	task.clear_ibuf [dreg:s7], $0x2FFFF;
	_ =	strace $0x9FFFFFFF  }
0xc3: {  	(tm) =	ssettm $0x7FFFFFFF  }
tec
execute0_lowered:
.L_overlay_start_1:
0x0: {  	(tag) =	ssettag $0x1  }
0x1: {  	s5 =	rddreg [dreg:$0x0]  }
0x2: {  	s7 =	rddreg [dreg:$0x1]  }
0x3: {  	s1 =	srdreg.scid;
	s0 =	stileid.u32  }
0x4: {  	s2 =	rddreg [dreg:$0x2];
	s3 =	simm.s32 $0x0;
	s4 =	smul.u32 $0x9E00, s0  }
0x5: {  	s14 =	simm.s32 $0x1;
	s15 =	simm.s32 $0x0;
	s9 =	smul.u32 $0x13C00, s0  }
0x6: {  	s6 =	sand.u32 $0x1, s1;
	s1 =	rddreg [dreg:$0x3];
	s11 =	smul.u32 $0x4F000, s0  }
0x7: {  	[smem:$0x7FF] =	sst s3;
	s31 =	sshll.u32 s0, $0x6;
	s8 =	smul.u32 $0x4F00, s6  }
0x8: {  	_ =	strace $0x8000004A;
	s30 =	ssub.s32 $0x2, s6;
	s6 =	smul.u32 $0x13C000, s6  }
0x9: {  	s12 =	sshrl.u32 s9, $0x3;
	s13 =	sshrl.u32 s30, $0x1;
	s11 =	sshrl.u32 s11, $0x2  }
0xa: {  	s8 =	sadd.s32 s8, s4;
	s4 =	sadd.s32 $0x16000, s5;
	s11 =	sadd.s32 s11, s2  }
0xb: {  	s9 =	sadd.s32 s9, s6;
	s6 =	sor.u32 $0x1C02, s31;
	s8 =	sshrl.u32 s8, $0x3  }
0xc: {  	s9 =	sshrl.u32 s9, $0x3;
	s10 =	sadd.s32 s8, s5;
	s5 =	sadd.s32 s12, s5  }
0xd: {  	s8 =	ssub.s32 s30, s13;
	s7 =	sadd.s32 s7, s9;
	s12 =	simm.s32 $0x80  }
0xe: {  	s13 =	simm.s32 $0x100;
	s5 =	sadd.s32 $0x3D200, s5;
	s8 =	smax.u32 s8, $0x1  }
0xf: {  	s9 =	sadd.s32 $0x2400, s10;
	s10 =	sshrl.u32 s11, $0x3;
	s11 =	simm.s32 $0x2  }
.LBB2_1:
0x10: {  	[spmem:s10], [sflag:s6] =	dma.local [hbm:s5], $0x2780  }
0x11: {  	_ =	swait.ge [sflag:s11], $0x2780  }
0x12: {  	[sflag:s11] =	ssyncset.done $0x0  }
0x13: {  	[sflag:s11] =	ssyncadd.s32 $0xFFFFD880  }
0x14: {  	s16 =	sadd.s32 $0x0, s9;
	[bflag:$0x0] =	sbarrier.arrive $0xFFFF  }
0x15: {  	[tilespmem:s3], [sflag:$0x2] =	stream.linear.gather [hbm4b:s16+s3], $0x100, $0x38;
	[tilespmem:$0x17D00] =	vst v63  }
0x16: {  	_ =	swait.ge [sflag:s11], $0x100  }
0x17: {  	[sflag:s11] =	ssyncset.done $0x0  }
0x18: {  	[sflag:s11] =	ssyncadd.s32 $0xFFFFFF00  }
0x19: {  	[tilespmem:s13], [sflag:$0x1] =	stream.indirect.gather [hbm4b:s4+s12], $0x80, s3, s12, $0xb8;
	[tilespmem:$0x17D00] =	vst v63  }
0x1a: {  	_ =	swait.ge [sflag:s14], $0x4000  }
0x1b: {  	[sflag:s14] =	ssyncset.done $0x0  }
0x1c: {  	[sflag:s14] =	ssyncadd.s32 $0xFFFFC000  }
0x1d: {  	[spmem:s2] =	stream.indirect.scatter.add.f32 [tilespmem:s13], [sflag:$0x2], $0x80, s12, s12, $0xb8;
	[tilespmem:$0x17D00] =	vst v63  }
0x1e: {  	_ =	swait.ge [sflag:s11], $0x4000  }
0x1f: {  	s17 =	simm.s32 $0x40;
	s16 =	simm.s32 $0x20;
	[sflag:s11] =	ssyncset.done $0x0  }
.LBB2_2:
0x20: {  	s18 =	sadd.s32 s16, s9  }
0x21: {  	[sflag:s11] =	ssyncadd.s32 $0xFFFFC000;
	s16 =	smov.u32 s17;
	s19 =	sadd.s32 $0x20, s17  }
0x22: {  	[tilespmem:s3], [sflag:$0x2] =	stream.linear.gather [hbm4b:s18+s3], $0x100, $0x38;
	[tilespmem:$0x17D00] =	vst v63  }
0x23: {  	p0 =	sne.s32 s17, $0x9C0;
	_ =	swait.ge [sflag:s11], $0x100  }
0x24: {  	[sflag:s11] =	ssyncset.done $0x0  }
0x25: {  	[sflag:s11] =	ssyncadd.s32 $0xFFFFFF00  }
0x26: {  	[tilespmem:s13], [sflag:$0x1] =	stream.indirect.gather [hbm4b:s4+s12], $0x80, s3, s12, $0xb8;
	[tilespmem:$0x17D00] =	vst v63  }
0x27: {  	_ =	swait.ge [sflag:s14], $0x4000  }
.Ltmp0:
0x28: {  	[sflag:s14] =	ssyncset.done $0x0;
	(pc) =	sbr.rel @p0 .LBB2_2-.Ltmp0, $4  }
0x29: {  	[sflag:s14] =	ssyncadd.s32 $0xFFFFC000  }
0x2a: {  	[spmem:s2] =	stream.indirect.scatter.add.f32 [tilespmem:s13], [sflag:$0x2], $0x80, s12, s12, $0xb8;
	[tilespmem:$0x17D00] =	vst v63  }
0x2b: {  	_ =	swait.ge [sflag:s11], $0x4000  }
0x2c: {  	s17 =	smov.u32 s19;
	[sflag:s11] =	ssyncset.done $0x0  }
0x2d: {  	s16 =	sadd.s32 s16, s9;
	[sflag:s11] =	ssyncadd.s32 $0xFFFFC000  }
0x2e: {  	[tilespmem:s3], [sflag:$0x2] =	stream.linear.gather [hbm4b:s16+s3], $0x100, $0x38;
	[tilespmem:$0x17D00] =	vst v63  }
0x2f: {  	_ =	swait.ge [sflag:s11], $0x100  }
0x30: {  	[sflag:s11] =	ssyncset.done $0x0  }
0x31: {  	[sflag:s11] =	ssyncadd.s32 $0xFFFFFF00  }
0x32: {  	[tilespmem:s13], [sflag:$0x1] =	stream.indirect.gather [hbm4b:s4+s12], $0x80, s3, s12, $0xb8;
	[tilespmem:$0x17D00] =	vst v63  }
0x33: {  	_ =	swait.ge [sflag:s14], $0x4000  }
0x34: {  	[sflag:s14] =	ssyncset.done $0x0  }
0x35: {  	[sflag:s14] =	ssyncadd.s32 $0xFFFFC000  }
0x36: {  	[spmem:s2] =	stream.indirect.scatter.add.f32 [tilespmem:s13], [sflag:$0x2], $0x80, s12, s12, $0xb8;
	[tilespmem:$0x17D00] =	vst v63  }
0x37: {  	_ =	swait.ge [sflag:s11], $0x4000  }
0x38: {  	s15 =	sadd.s32 $0x1, s15;
	[sflag:s11] =	ssyncset.done $0x0  }
0x39: {  	p0 =	sne.s32 s15, s8;
	[sflag:s11] =	ssyncadd.s32 $0xFFFFC000  }
.Ltmp1:
0x3a: {  	[bflag:$0x0] =	sbarrier.arrive $0xFFFF;
	(pc) =	sbr.rel @p0 .LBB2_1-.Ltmp1, $4  }
0x3b: {  	[hbm:s7], [sflag:s6] =	dma.local [spmem:s10], $0x2780  }
0x3c: {  	_ =	swait.ge [sflag:s11], $0x2780  }
0x3d: {  	[sflag:s11] =	ssyncset.done $0x0  }
0x3e: {  	[sflag:s11] =	ssyncadd.s32 $0xFFFFD880  }
0x3f: {  	_ =	sfence.sel $0x180000  }
0x40: {  	[bflag:$0x0] =	sbarrier.arrive $0xFFFF  }
0x41: {  	p0 =	sne.s32 s0, $0x0;
	_ =	strace $0x9000004A  }
0x42: {  	s0 =	sadd.s32 @!p0 $0x100000, s1;
	[bflag:$0x2] =	sbarrier.arrive $0xFFFF  }
0x43: {  	[sflag:s0] =	ssyncadd.tile.s32 @!p0 $0x1;
	_ =	shalt  }
.Lfunc_end2:
_tile_overlayer_lowered:
.L_overlay_start_2:
0x44: {  	(tag) =	ssettag $0x2  }
0x45: {  	s0 =	rddreg [dreg:$0x0];
	s2 =	stileid.u32  }
0x46: {  	s1 =	rddreg [dreg:$0x1];
	p0 =	sne.s32 s2, $0x0  }
0x47: {  	s3 =	rddreg [dreg:$0x2];
	[bflag:$0x3] =	sbarrier.arrive $0xFFFF;
	s2 =	simm.s32 @!p0 $0x1C02  }
0x48: {  	[timem:s3], [sflag:s2] =	dma.local @!p0 [hbm:s0], s1  }
0x49: {  	s0 =	simm.s32 @!p0 $0x2  }
0x4a: {  	_ =	swait.ge @!p0 [sflag:s0], s1  }
0x4b: {  	s1 =	ssub.s32 @!p0 $0x0, s1;
	[sflag:s0] =	ssyncset.done @!p0 $0x0  }
0x4c: {  	[sflag:s0] =	ssyncadd.s32 @!p0 s1  }
0x4d: {  	[bflag:$0x3] =	sbarrier.arrive $0xFFFF  }
0x4e: {  	_ =	shalt  }

// kernel: kernel.15.cloned.1.call-start
scs
__scs_entry_jumppad:
0x0: {  	(pc) =	sbr.rel $0x88, $3  }
0x1: {  	(tag) =	ssettag $0x0;
	lr =	simm.s32 $0x1  }
0x2: {  	[smem:$0x3F97] =	sst lr;
	_ =	strace $0xD0000000  }
0x3: {  	_ = 	snop  }
0x4: {  	_ = 	snop  }
0x5: {  	_ = 	snop  }
0x6: {  	_ = 	snop  }
0x7: {  	_ = 	snop  }
__scs_overlays_trampoline_lowered:
0x8: {  	[smem:$0x3FA6] =	sst s0  }
0x9: {  	[smem:$0x3FA7] =	sst s1  }
0xa: {  	[smem:$0x3FA8] =	sst s2  }
0xb: {  	[smem:$0x3FA9] =	sst s3  }
0xc: {  	[smem:$0x3FAA] =	sst s4  }
0xd: {  	[smem:$0x3FAB] =	sst s5  }
0xe: {  	[smem:$0x3FAC] =	sst s6  }
0xf: {  	[smem:$0x3FAD] =	sst s7  }
0x10: {  	[smem:$0x3FAE] =	sst s8  }
0x11: {  	[smem:$0x3FAF] =	sst s9;
	s0 =	simm.s32 @!p0 $0x0  }
0x12: {  	s1 =	sld [smem:$0x3F95];
	s0 =	simm.s32 @p0 $0x1  }
0x13: {  	[smem:$0x3FB0] =	sst s0;
	s0 =	simm.s32 @!p1 $0x0  }
0x14: {  	s2 =	sld [smem:$0x3F94];
	s0 =	simm.s32 @p1 $0x1  }
0x15: {  	[smem:$0x3FB1] =	sst s0;
	s0 =	simm.s32 @!p2 $0x0  }
0x16: {  	s3 =	sld [smem:$0x3FDB];
	s0 =	simm.s32 @p2 $0x1  }
0x17: {  	s4 =	simm.s32 $0x1BF5;
	[smem:$0x3FB3] =	sst s0  }
0x18: {  	s0 =	sld [smem:$0x3F96];
	_ =	swait.ge [sflag:s4], $0x0  }
0x19: {  	s7 =	sld [smem:$0x3F97]  }
0x1a: {  	s8 =	sadd.s32 $0xFFFFE003, lr  }
0x1b: {  	s9 =	sadd.s32 $0xFFFFFEF7, lr;
	s5 =	simm.s32 $0xFFFFFFFF;
	p2 =	slt.u32 s8, $0xFFFFF086  }
0x1c: {  	p1 =	slt.u32 s9, $0xF7A;
	s5 =	simm.s32 @!p2 $0x0  }
0x1d: {  	s5 =	simm.s32 @p1 $0x1;
	p0 =	seq.s32 s7, s2  }
0x1e: {  	s7 =	smul.u32 @!p0 $0xF7A, s2;
	p2 =	seq.s32 @!p0 s5, $0x0  }
0x1f: {  	s9 =	smul.u32 $0xF7A, s1;
	s8 =	simm.s32 @!p0 $0x1BF5;
	p2 =	por !p2, p0  }
0x20: {  	[sflag:s8] =	ssyncset.s32 @!p0 $0xFFFFF086;
	s6 =	sadd.s32 @!p0 s3, s7;
	s7 =	simm.s32 @!p0 $0x108  }
0x21: {  	s3 =	sadd.s32 s3, s9;
	s6 =	sadd.s32 @!p0 $0x88, s6;
	s7 =	simm.s32 @p2 $0x1082  }
0x22: {  	[simem:s7], [sflag:s8] =	dma.local @!p0 [hbm:s6], $0xF7A  }
0x23: {  	s9 =	sor.u32 $0xD0000000, s2;
	s6 =	simm.s32 $0x108;
	_ =	swait.ge @!p0 [sflag:s8], $0x0  }
0x24: {  	s3 =	sadd.s32 $0x88, s3;
	s6 =	simm.s32 @!p1 $0x1082;
	[sflag:s4] =	ssyncset.s32 $0xFFFFF086  }
0x25: {  	[simem:s6], [sflag:s4] =	dma.local [hbm:s3], $0xF7A  }
0x26: {  	[smem:$0x3F97] =	sst s1;
	(tag) =	ssettag s2;
	_ =	strace s9  }
0x27: {  	s1 =	sld [smem:$0x3FA7]  }
0x28: {  	s2 =	sld [smem:$0x3FA8]  }
0x29: {  	s4 =	sld [smem:$0x3FAA]  }
0x2a: {  	p0 =	seq.s32 s5, $0x0;
	s5 =	sld [smem:$0x3FAB]  }
0x2b: {  	s6 =	sld [smem:$0x3FAC]  }
0x2c: {  	s7 =	sld [smem:$0x3FAD]  }
0x2d: {  	s3 =	simm.s32 $0x108;
	s8 =	sld [smem:$0x3FAE]  }
0x2e: {  	s3 =	simm.s32 @!p0 $0x1082;
	s9 =	sld [smem:$0x3FAF]  }
0x2f: {  	lr =	sadd.s32 s0, s3;
	s0 =	sld [smem:$0x3FA6]  }
0x30: {  	s3 =	sld [smem:$0x3FA9]  }
0x31: {  	[smem:$0x3FB2] =	sst s10  }
0x32: {  	s10 =	sld [smem:$0x3FB0];
	_ =	sdelay $0x3  }
0x33: {  	p0 =	seq.s32 s10, $0x1;
	s10 =	sld [smem:$0x3FB2];
	_ =	sdelay $0x3  }
0x34: {  	[smem:$0x3FB2] =	sst s10  }
0x35: {  	s10 =	sld [smem:$0x3FB1];
	_ =	sdelay $0x3  }
0x36: {  	p1 =	seq.s32 s10, $0x1;
	s10 =	sld [smem:$0x3FB2];
	_ =	sdelay $0x3  }
0x37: {  	[smem:$0x3FB2] =	sst s10  }
0x38: {  	s10 =	sld [smem:$0x3FB3]  }
0x39: {  	_ = 	snop;
	(pc) =	sbr.ind lr, $3  }
0x3a: {  	_ = 	snop  }
0x3b: {  	_ = 	snop  }
0x3c: {  	p2 =	seq.s32 s10, $0x1;
	s10 =	sld [smem:$0x3FB2]  }
0x3d: {  	_ =	shalt  }
0x3e: {  	_ =	shalt  }
0x3f: {  	_ =	shalt  }
0x40: {  	_ =	shalt  }
0x41: {  	_ =	shalt  }
0x42: {  	_ =	shalt  }
0x43: {  	_ =	shalt  }
0x44: {  	_ =	shalt  }
0x45: {  	_ =	shalt  }
0x46: {  	_ =	shalt  }
0x47: {  	_ =	shalt  }
0x48: {  	_ =	shalt  }
0x49: {  	_ =	shalt  }
0x4a: {  	_ =	shalt  }
0x4b: {  	_ =	shalt  }
0x4c: {  	_ =	shalt  }
0x4d: {  	_ =	shalt  }
0x4e: {  	_ =	shalt  }
0x4f: {  	_ =	shalt  }
0x50: {  	_ =	shalt  }
0x51: {  	_ =	shalt  }
0x52: {  	_ =	shalt  }
0x53: {  	_ =	shalt  }
0x54: {  	_ =	shalt  }
0x55: {  	_ =	shalt  }
0x56: {  	_ =	shalt  }
0x57: {  	_ =	shalt  }
0x58: {  	_ =	shalt  }
0x59: {  	_ =	shalt  }
0x5a: {  	_ =	shalt  }
0x5b: {  	_ =	shalt  }
0x5c: {  	_ =	shalt  }
0x5d: {  	_ =	shalt  }
0x5e: {  	_ =	shalt  }
0x5f: {  	_ =	shalt  }
0x60: {  	_ =	shalt  }
0x61: {  	_ =	shalt  }
0x62: {  	_ =	shalt  }
0x63: {  	_ =	shalt  }
0x64: {  	_ =	shalt  }
0x65: {  	_ =	shalt  }
0x66: {  	_ =	shalt  }
0x67: {  	_ =	shalt  }
0x68: {  	_ =	shalt  }
0x69: {  	_ =	shalt  }
0x6a: {  	_ =	shalt  }
0x6b: {  	_ =	shalt  }
0x6c: {  	_ =	shalt  }
0x6d: {  	_ =	shalt  }
0x6e: {  	_ =	shalt  }
0x6f: {  	_ =	shalt  }
0x70: {  	_ =	shalt  }
0x71: {  	_ =	shalt  }
0x72: {  	_ =	shalt  }
0x73: {  	_ =	shalt  }
0x74: {  	_ =	shalt  }
0x75: {  	_ =	shalt  }
0x76: {  	_ =	shalt  }
0x77: {  	_ =	shalt  }
0x78: {  	_ =	shalt  }
0x79: {  	_ =	shalt  }
0x7a: {  	_ =	shalt  }
0x7b: {  	_ =	shalt  }
0x7c: {  	_ =	shalt  }
0x7d: {  	_ =	shalt  }
0x7e: {  	_ =	shalt  }
0x7f: {  	_ =	shalt  }
0x80: {  	_ =	shalt  }
0x81: {  	_ =	shalt  }
0x82: {  	_ =	shalt  }
0x83: {  	_ =	shalt  }
0x84: {  	_ =	shalt  }
0x85: {  	_ =	shalt  }
0x86: {  	_ =	shalt  }
0x87: {  	_ =	shalt  }
.Lfunc_end0:
.L_simem_size_0:
called_computation.3_lowered:
.L_overlay_start_0:
0x88: {  	s2 =	sld [smem:$0x3FD9]  }
0x89: {  	s3 =	sld [smem:$0x3FFE];
	_ =	sdelay $0x1  }
0x8a: {  	s1 =	srdreg.scid  }
0x8b: {  	s0 =	sand.u32 $0x1, s1  }
0x8c: {  	s17 =	sshll.u32 s0, $0xA;
	s2 =	sadd.s32 s3, s2  }
0x8d: {  	s2 =	sadd.s32 s2, s17  }
0x8e: {  	[smem:$0x3FBE] =	sst s2  }
0x8f: {  	_ = 	snop  }
0x90: {  	s2 =	sld [smem:$0x3FC5]  }
0x91: {  	s18 =	sld [smem:$0x3FD0];
	(tm) =	ssettm $0x1  }
0x92: {  	s4 =	sld [smem:$0x3FFB];
	_ =	sdelay $0x3  }
0x93: {  	_ =	strace s4  }
0x94: {  	s4 =	sld [smem:$0x3FFC];
	_ =	sdelay $0x3  }
0x95: {  	_ =	strace s4  }
0x96: {  	s4 =	sld [smem:$0x3FFD];
	_ =	sdelay $0x3  }
0x97: {  	_ =	strace s4  }
0x98: {  	_ =	strace $0x8FFFFFFF  }
0x99: {  	s19 =	sld [smem:$0x3FDB];
	_ =	sdelay $0x1  }
0x9a: {  	s5 =	simm.s32 $_scs_section_size  }
0x9b: {  	s6 =	simm.s32 $_size__tile_overlayer_lowered;
	s7 =	simm.s32 $_tile_overlayer_lowered  }
0x9c: {  	s22 =	simm.s32 $0x1BFF;
	s21 =	sshll.u32 s7, $0x1;
	s4 =	sadd.s32 s5, s19  }
0x9d: {  	s8 =	simm.s32 $0x0;
	s20 =	sshll.u32 s6, $0x1;
	s6 =	sadd.s32 s21, s4  }
0x9e: {  	[timem:s8], [sflag:s22] =	dma.local [hbm:s6], s20  }
0x9f: {  	_ =	swait.ge [sflag:s22], s20  }
0xa0: {  	s5 =	ssub.s32 $0x0, s20;
	[sflag:s22] =	ssyncset.done $0x0  }
0xa1: {  	[sflag:s22] =	ssyncadd.s32 s5;
	_ =	sdelay $0x1  }
0xa2: {  	s23 =	simm.s32 $0x1B8B  }
0xa3: {  	_ =	swait.ge [sflag:s23], $0x1  }
0xa4: {  	[sflag:s23] =	ssyncset.done $0x0  }
0xa5: {  	s25 =	simm.s32 $0x1B8E;
	s24 =	sld [smem:$0x3FFE];
	[sflag:s23] =	ssyncadd.s32 $0xFFFFFFFF  }
0xa6: {  	s26 =	simm.s32 $execute0_lowered;
	[smem:$0x3FD2] =	sst s25  }
0xa7: {  	s6 =	sshll.u32 s26, $0x1;
	_ =	strace $0x8000004C;
	[dreg:$0x1] =	wrdreg $0xFFFFFFFF  }
0xa8: {  	s28 =	simm.s32 $_size_execute0_lowered;
	s4 =	sadd.s32 s4, s6;
	[dreg:$0x0] =	wrdreg $0x0  }
0xa9: {  	s6 =	sshll.u32 s28, $0x1;
	[dreg:$0x2] =	wrdreg s4  }
0xaa: {  	[dreg:$0x3] =	wrdreg s6  }
0xab: {  	[dreg:$0x4] =	wrdreg $0xC0  }
0xac: {  	_ =	task [dreg:s8], $0x5FFFF  }
0xad: {  	[dreg:$0x1] =	wrdreg $0xFFFFFFFF  }
0xae: {  	[dreg:$0x0] =	wrdreg $0x60  }
0xaf: {  	[dreg:$0x2] =	wrdreg s18  }
0xb0: {  	[dreg:$0x3] =	wrdreg s2  }
0xb1: {  	[dreg:$0x4] =	wrdreg s24  }
0xb2: {  	[dreg:$0x5] =	wrdreg $0x9  }
0xb3: {  	_ =	task.clear_ibuf [dreg:s8], $0x6FFFF;
	_ =	strace $0x9000004C  }
0xb4: {  	s29 =	simm.s32 $0x9;
	_ =	strace $0x8000004E  }
0xb5: {  	_ =	swait.ge [sflag:s29], $0x1  }
0xb6: {  	[sflag:s29] =	ssyncadd.s32 $0xFFFFFFFF  }
0xb7: {  	_ =	strace $0x9000004E  }
0xb8: {  	_ =	sfence  }
0xb9: {  	s30 =	sld [smem:$0x0];
	_ =	sdelay $0x2  }
0xba: {  	s31 =	sshll.u32 s1, $0xD;
	s1 =	sshrl.u32 s1, $0x2  }
0xbb: {  	s3 =	sand.u32 $0x4000, s31;
	s1 =	sadd.s32 s1, s30  }
0xbc: {  	s0 =	sor.u32 s3, s0;
	s1 =	sshll.u32 s1, $0x11  }
0xbd: {  	s0 =	sor.u32 s1, s0  }
0xbe: {  	s0 =	sadd.s32 $0x8F2B, s0  }
0xbf: {  	[sflag:s0] =	ssyncadd.remote.s32 $0x1  }
0xc0: {  	_ =	sfence.sel $0xFFFF  }
0xc1: {  	[dreg:$0x0] =	wrdreg $0xFFFFFFFF;
	(pc) =	sbr.abs _section_cstart, $3  }
0xc2: {  	[dreg:$0x1] =	wrdreg $0xFFFFFFFF  }
0xc3: {  	_ =	task.clear_ibuf [dreg:s8], $0x2FFFF;
	_ =	strace $0x9FFFFFFF  }
0xc4: {  	(tm) =	ssettm $0x7FFFFFFF  }
0xc5: {  	_ =	shalt  }
tec
execute0_lowered:
.L_overlay_start_1:
0x0: {  	(tag) =	ssettag $0x1  }
0x1: {  	s1 =	rddreg [dreg:$0x0]  }
0x2: {  	s2 =	srdreg.scid;
	s0 =	stileid.u32  }
0x3: {  	s3 =	rddreg [dreg:$0x1];
	s13 =	sand.u32 $0x1, s2;
	s30 =	sshll.u32 s0, $0x1  }
0x4: {  	s14 =	rddreg [dreg:$0x2];
	s15 =	sor.u32 s13, s30  }
0x5: {  	s4 =	simm.s32 $0x0;
	s2 =	rddreg [dreg:$0x3];
	s5 =	sshll.u32 s15, $0x4  }
0x6: {  	[smem:$0x7FF] =	sst s4;
	s7 =	sadd.s32 s5, s14  }
0x7: {  	_ =	strace $0x8000004D;
	s5 =	simm.s32 $0x2;
	s6 =	sadd.s32 $0x64C00, s7  }
0x8: {  	[tilespmem:s4], [sflag:$0x2] =	stream.linear.gather [hbm4b:s6+s4], $0x80, $0x38;
	[tilespmem:$0x2100] =	vst v63  }
0x9: {  	_ =	swait.ge [sflag:s5], $0x80  }
0xa: {  	[sflag:s5] =	ssyncset.done $0x0  }
0xb: {  	s8 =	simm.s32 $0x80;
	s7 =	sadd.s32 $0x64A00, s7;
	[sflag:s5] =	ssyncadd.s32 $0xFFFFFF80  }
0xc: {  	[tilespmem:s8], [sflag:$0x2] =	stream.linear.gather [hbm4b:s7+s4], $0x80, $0x38;
	[tilespmem:$0x2100] =	vst v63  }
0xd: {  	_ =	swait.ge [sflag:s5], $0x80  }
0xe: {  	s9 =	simm.s32 $0x20;
	[sflag:s5] =	ssyncset.done $0x0  }
0xf: {  	s10 =	simm.s32 $0x100;
	s11 =	simm.s32 $0x1;
	[sflag:s5] =	ssyncadd.s32 $0xFFFFFF80  }
0x10: {  	[tilespmem:s10], [sflag:$0x1] =	stream.indirect.gather [hbm4b:s1+s9], $0x80, s4, s9, $0xb8;
	[tilespmem:$0x2100] =	vst v63  }
0x11: {  	_ =	swait.ge [sflag:s11], $0x1000  }
0x12: {  	[sflag:s11] =	ssyncset.done $0x0  }
0x13: {  	s12 =	simm.s32 $0x1100;
	s31 =	ssub.s32 $0x2, s13;
	[sflag:s11] =	ssyncadd.s32 $0xFFFFF000  }
0x14: {  	[tilespmem:s12], [sflag:$0x1] =	stream.indirect.gather [hbm4b:s3+s9], $0x80, s8, s9, $0xb8;
	[tilespmem:$0x2100] =	vst v63  }
0x15: {  	s15 =	sshll.u32 s15, $0x9;
	s16 =	sshrl.u32 s31, $0x1;
	_ =	swait.ge [sflag:s11], $0x1000  }
0x16: {  	s14 =	sadd.s32 s15, s14;
	s15 =	ssub.s32 s31, s16;
	[sflag:s11] =	ssyncset.done $0x0  }
0x17: {  	s13 =	sadd.s32 $0x2400, s14;
	s15 =	smax.u32 s15, $0x1;
	[sflag:s11] =	ssyncadd.s32 $0xFFFFF000  }
0x18: {  	[hbm4b:s13+s4] =	stream.linear.scatter [tilespmem:s10], [sflag:$0x2], $0x1000, $0x38;
	[tilespmem:$0x2100] =	vst v63  }
0x19: {  	p0 =	sne.s32 s15, $0x1;
	_ =	swait.ge [sflag:s5], $0x1000  }
.Ltmp0:
0x1a: {  	[sflag:s5] =	ssyncset.done $0x0;
	(pc) =	sbr.rel @!p0 .LBB2_2-.Ltmp0, $4  }
0x1b: {  	s14 =	sadd.s32 $0x6400, s14;
	[sflag:s5] =	ssyncadd.s32 $0xFFFFF000  }
0x1c: {  	[hbm4b:s14+s4] =	stream.linear.scatter [tilespmem:s12], [sflag:$0x2], $0x1000, $0x38;
	[tilespmem:$0x2100] =	vst v63  }
0x1d: {  	_ =	swait.ge [sflag:s5], $0x1000  }
0x1e: {  	s15 =	sadd.s32 $0xFFFFFFFF, s15;
	[sflag:s5] =	ssyncset.done $0x0  }
.LBB2_1:
0x1f: {  	p0 =	sne.s32 s15, $0x1;
	s15 =	sadd.s32 $0xFFFFFFFF, s15;
	[sflag:s5] =	ssyncadd.s32 $0xFFFFF000  }
0x20: {  	[tilespmem:s4], [sflag:$0x2] =	stream.linear.gather [hbm4b:s6+s4], $0x80, $0x38;
	[tilespmem:$0x2100] =	vst v63  }
0x21: {  	_ =	swait.ge [sflag:s5], $0x80  }
0x22: {  	[sflag:s5] =	ssyncset.done $0x0  }
0x23: {  	[sflag:s5] =	ssyncadd.s32 $0xFFFFFF80  }
0x24: {  	[tilespmem:s8], [sflag:$0x2] =	stream.linear.gather [hbm4b:s7+s4], $0x80, $0x38;
	[tilespmem:$0x2100] =	vst v63  }
0x25: {  	_ =	swait.ge [sflag:s5], $0x80  }
0x26: {  	[sflag:s5] =	ssyncset.done $0x0  }
0x27: {  	[sflag:s5] =	ssyncadd.s32 $0xFFFFFF80  }
0x28: {  	[tilespmem:s10], [sflag:$0x1] =	stream.indirect.gather [hbm4b:s1+s9], $0x80, s4, s9, $0xb8;
	[tilespmem:$0x2100] =	vst v63  }
0x29: {  	_ =	swait.ge [sflag:s11], $0x1000  }
0x2a: {  	[sflag:s11] =	ssyncset.done $0x0  }
0x2b: {  	[sflag:s11] =	ssyncadd.s32 $0xFFFFF000  }
0x2c: {  	[tilespmem:s12], [sflag:$0x1] =	stream.indirect.gather [hbm4b:s3+s9], $0x80, s8, s9, $0xb8;
	[tilespmem:$0x2100] =	vst v63  }
0x2d: {  	_ =	swait.ge [sflag:s11], $0x1000  }
0x2e: {  	[sflag:s11] =	ssyncset.done $0x0  }
0x2f: {  	[sflag:s11] =	ssyncadd.s32 $0xFFFFF000  }
0x30: {  	[hbm4b:s13+s4] =	stream.linear.scatter [tilespmem:s10], [sflag:$0x2], $0x1000, $0x38;
	[tilespmem:$0x2100] =	vst v63  }
0x31: {  	_ =	swait.ge [sflag:s5], $0x1000  }
.Ltmp1:
0x32: {  	[sflag:s5] =	ssyncset.done $0x0;
	(pc) =	sbr.rel @p0 .LBB2_1-.Ltmp1, $4  }
0x33: {  	[sflag:s5] =	ssyncadd.s32 $0xFFFFF000  }
0x34: {  	[hbm4b:s14+s4] =	stream.linear.scatter [tilespmem:s12], [sflag:$0x2], $0x1000, $0x38;
	[tilespmem:$0x2100] =	vst v63  }
0x35: {  	_ =	swait.ge [sflag:s5], $0x1000  }
0x36: {  	[sflag:s5] =	ssyncset.done $0x0  }
.LBB2_2:
0x37: {  	[sflag:s5] =	ssyncadd.s32 $0xFFFFF000  }
0x38: {  	_ =	sfence.sel $0x180000  }
0x39: {  	[bflag:$0x0] =	sbarrier.arrive $0xFFFF  }
0x3a: {  	p0 =	sne.s32 s0, $0x0;
	_ =	strace $0x9000004D  }
0x3b: {  	s0 =	sadd.s32 @!p0 $0x100000, s2;
	[bflag:$0x2] =	sbarrier.arrive $0xFFFF  }
0x3c: {  	[sflag:s0] =	ssyncadd.tile.s32 @!p0 $0x1;
	_ =	shalt  }
.Lfunc_end2:
_tile_overlayer_lowered:
.L_overlay_start_2:
0x3d: {  	(tag) =	ssettag $0x2  }
0x3e: {  	s0 =	rddreg [dreg:$0x0];
	s2 =	stileid.u32  }
0x3f: {  	s1 =	rddreg [dreg:$0x1];
	p0 =	sne.s32 s2, $0x0  }
0x40: {  	s3 =	rddreg [dreg:$0x2];
	[bflag:$0x3] =	sbarrier.arrive $0xFFFF;
	s2 =	simm.s32 @!p0 $0x1C02  }
0x41: {  	[timem:s3], [sflag:s2] =	dma.local @!p0 [hbm:s0], s1  }
0x42: {  	s0 =	simm.s32 @!p0 $0x2  }
0x43: {  	_ =	swait.ge @!p0 [sflag:s0], s1  }
0x44: {  	s1 =	ssub.s32 @!p0 $0x0, s1;
	[sflag:s0] =	ssyncset.done @!p0 $0x0  }
0x45: {  	[sflag:s0] =	ssyncadd.s32 @!p0 s1  }
0x46: {  	[bflag:$0x3] =	sbarrier.arrive $0xFFFF  }
0x47: {  	_ =	shalt  }

// kernel: kernel.9.cloned.1.call-start
scs
__scs_entry_jumppad:
0x0: {  	(pc) =	sbr.rel $0x88, $3  }
0x1: {  	(tag) =	ssettag $0x0;
	lr =	simm.s32 $0x1  }
0x2: {  	[smem:$0x3F97] =	sst lr;
	_ =	strace $0xD0000000  }
0x3: {  	_ = 	snop  }
0x4: {  	_ = 	snop  }
0x5: {  	_ = 	snop  }
0x6: {  	_ = 	snop  }
0x7: {  	_ = 	snop  }
__scs_overlays_trampoline_lowered:
0x8: {  	[smem:$0x3FA6] =	sst s0  }
0x9: {  	[smem:$0x3FA7] =	sst s1  }
0xa: {  	[smem:$0x3FA8] =	sst s2  }
0xb: {  	[smem:$0x3FA9] =	sst s3  }
0xc: {  	[smem:$0x3FAA] =	sst s4  }
0xd: {  	[smem:$0x3FAB] =	sst s5  }
0xe: {  	[smem:$0x3FAC] =	sst s6  }
0xf: {  	[smem:$0x3FAD] =	sst s7  }
0x10: {  	[smem:$0x3FAE] =	sst s8  }
0x11: {  	[smem:$0x3FAF] =	sst s9;
	s0 =	simm.s32 @!p0 $0x0  }
0x12: {  	s1 =	sld [smem:$0x3F95];
	s0 =	simm.s32 @p0 $0x1  }
0x13: {  	[smem:$0x3FB0] =	sst s0;
	s0 =	simm.s32 @!p1 $0x0  }
0x14: {  	s2 =	sld [smem:$0x3F94];
	s0 =	simm.s32 @p1 $0x1  }
0x15: {  	[smem:$0x3FB1] =	sst s0;
	s0 =	simm.s32 @!p2 $0x0  }
0x16: {  	s3 =	sld [smem:$0x3FDB];
	s0 =	simm.s32 @p2 $0x1  }
0x17: {  	s4 =	simm.s32 $0x1BF5;
	[smem:$0x3FB3] =	sst s0  }
0x18: {  	s0 =	sld [smem:$0x3F96];
	_ =	swait.ge [sflag:s4], $0x0  }
0x19: {  	s7 =	sld [smem:$0x3F97]  }
0x1a: {  	s8 =	sadd.s32 $0xFFFFE003, lr  }
0x1b: {  	s9 =	sadd.s32 $0xFFFFFEF7, lr;
	s5 =	simm.s32 $0xFFFFFFFF;
	p2 =	slt.u32 s8, $0xFFFFF086  }
0x1c: {  	p1 =	slt.u32 s9, $0xF7A;
	s5 =	simm.s32 @!p2 $0x0  }
0x1d: {  	s5 =	simm.s32 @p1 $0x1;
	p0 =	seq.s32 s7, s2  }
0x1e: {  	s7 =	smul.u32 @!p0 $0xF7A, s2;
	p2 =	seq.s32 @!p0 s5, $0x0  }
0x1f: {  	s9 =	smul.u32 $0xF7A, s1;
	s8 =	simm.s32 @!p0 $0x1BF5;
	p2 =	por !p2, p0  }
0x20: {  	[sflag:s8] =	ssyncset.s32 @!p0 $0xFFFFF086;
	s6 =	sadd.s32 @!p0 s3, s7;
	s7 =	simm.s32 @!p0 $0x108  }
0x21: {  	s3 =	sadd.s32 s3, s9;
	s6 =	sadd.s32 @!p0 $0x88, s6;
	s7 =	simm.s32 @p2 $0x1082  }
0x22: {  	[simem:s7], [sflag:s8] =	dma.local @!p0 [hbm:s6], $0xF7A  }
0x23: {  	s9 =	sor.u32 $0xD0000000, s2;
	s6 =	simm.s32 $0x108;
	_ =	swait.ge @!p0 [sflag:s8], $0x0  }
0x24: {  	s3 =	sadd.s32 $0x88, s3;
	s6 =	simm.s32 @!p1 $0x1082;
	[sflag:s4] =	ssyncset.s32 $0xFFFFF086  }
0x25: {  	[simem:s6], [sflag:s4] =	dma.local [hbm:s3], $0xF7A  }
0x26: {  	[smem:$0x3F97] =	sst s1;
	(tag) =	ssettag s2;
	_ =	strace s9  }
0x27: {  	s1 =	sld [smem:$0x3FA7]  }
0x28: {  	s2 =	sld [smem:$0x3FA8]  }
0x29: {  	s4 =	sld [smem:$0x3FAA]  }
0x2a: {  	p0 =	seq.s32 s5, $0x0;
	s5 =	sld [smem:$0x3FAB]  }
0x2b: {  	s6 =	sld [smem:$0x3FAC]  }
0x2c: {  	s7 =	sld [smem:$0x3FAD]  }
0x2d: {  	s3 =	simm.s32 $0x108;
	s8 =	sld [smem:$0x3FAE]  }
0x2e: {  	s3 =	simm.s32 @!p0 $0x1082;
	s9 =	sld [smem:$0x3FAF]  }
0x2f: {  	lr =	sadd.s32 s0, s3;
	s0 =	sld [smem:$0x3FA6]  }
0x30: {  	s3 =	sld [smem:$0x3FA9]  }
0x31: {  	[smem:$0x3FB2] =	sst s10  }
0x32: {  	s10 =	sld [smem:$0x3FB0];
	_ =	sdelay $0x3  }
0x33: {  	p0 =	seq.s32 s10, $0x1;
	s10 =	sld [smem:$0x3FB2];
	_ =	sdelay $0x3  }
0x34: {  	[smem:$0x3FB2] =	sst s10  }
0x35: {  	s10 =	sld [smem:$0x3FB1];
	_ =	sdelay $0x3  }
0x36: {  	p1 =	seq.s32 s10, $0x1;
	s10 =	sld [smem:$0x3FB2];
	_ =	sdelay $0x3  }
0x37: {  	[smem:$0x3FB2] =	sst s10  }
0x38: {  	s10 =	sld [smem:$0x3FB3]  }
0x39: {  	_ = 	snop;
	(pc) =	sbr.ind lr, $3  }
0x3a: {  	_ = 	snop  }
0x3b: {  	_ = 	snop  }
0x3c: {  	p2 =	seq.s32 s10, $0x1;
	s10 =	sld [smem:$0x3FB2]  }
0x3d: {  	_ =	shalt  }
0x3e: {  	_ =	shalt  }
0x3f: {  	_ =	shalt  }
0x40: {  	_ =	shalt  }
0x41: {  	_ =	shalt  }
0x42: {  	_ =	shalt  }
0x43: {  	_ =	shalt  }
0x44: {  	_ =	shalt  }
0x45: {  	_ =	shalt  }
0x46: {  	_ =	shalt  }
0x47: {  	_ =	shalt  }
0x48: {  	_ =	shalt  }
0x49: {  	_ =	shalt  }
0x4a: {  	_ =	shalt  }
0x4b: {  	_ =	shalt  }
0x4c: {  	_ =	shalt  }
0x4d: {  	_ =	shalt  }
0x4e: {  	_ =	shalt  }
0x4f: {  	_ =	shalt  }
0x50: {  	_ =	shalt  }
0x51: {  	_ =	shalt  }
0x52: {  	_ =	shalt  }
0x53: {  	_ =	shalt  }
0x54: {  	_ =	shalt  }
0x55: {  	_ =	shalt  }
0x56: {  	_ =	shalt  }
0x57: {  	_ =	shalt  }
0x58: {  	_ =	shalt  }
0x59: {  	_ =	shalt  }
0x5a: {  	_ =	shalt  }
0x5b: {  	_ =	shalt  }
0x5c: {  	_ =	shalt  }
0x5d: {  	_ =	shalt  }
0x5e: {  	_ =	shalt  }
0x5f: {  	_ =	shalt  }
0x60: {  	_ =	shalt  }
0x61: {  	_ =	shalt  }
0x62: {  	_ =	shalt  }
0x63: {  	_ =	shalt  }
0x64: {  	_ =	shalt  }
0x65: {  	_ =	shalt  }
0x66: {  	_ =	shalt  }
0x67: {  	_ =	shalt  }
0x68: {  	_ =	shalt  }
0x69: {  	_ =	shalt  }
0x6a: {  	_ =	shalt  }
0x6b: {  	_ =	shalt  }
0x6c: {  	_ =	shalt  }
0x6d: {  	_ =	shalt  }
0x6e: {  	_ =	shalt  }
0x6f: {  	_ =	shalt  }
0x70: {  	_ =	shalt  }
0x71: {  	_ =	shalt  }
0x72: {  	_ =	shalt  }
0x73: {  	_ =	shalt  }
0x74: {  	_ =	shalt  }
0x75: {  	_ =	shalt  }
0x76: {  	_ =	shalt  }
0x77: {  	_ =	shalt  }
0x78: {  	_ =	shalt  }
0x79: {  	_ =	shalt  }
0x7a: {  	_ =	shalt  }
0x7b: {  	_ =	shalt  }
0x7c: {  	_ =	shalt  }
0x7d: {  	_ =	shalt  }
0x7e: {  	_ =	shalt  }
0x7f: {  	_ =	shalt  }
0x80: {  	_ =	shalt  }
0x81: {  	_ =	shalt  }
0x82: {  	_ =	shalt  }
0x83: {  	_ =	shalt  }
0x84: {  	_ =	shalt  }
0x85: {  	_ =	shalt  }
0x86: {  	_ =	shalt  }
0x87: {  	_ =	shalt  }
.Lfunc_end0:
.L_simem_size_0:
called_computation.1_lowered:
.L_overlay_start_0:
0x88: {  	s2 =	sld [smem:$0x3FD9]  }
0x89: {  	s3 =	sld [smem:$0x3FFE];
	_ =	sdelay $0x1  }
0x8a: {  	s1 =	srdreg.scid  }
0x8b: {  	s0 =	sand.u32 $0x1, s1  }
0x8c: {  	s17 =	sshll.u32 s0, $0xA;
	s2 =	sadd.s32 s3, s2  }
0x8d: {  	s2 =	sadd.s32 s2, s17  }
0x8e: {  	[smem:$0x3FBE] =	sst s2  }
0x8f: {  	_ = 	snop  }
0x90: {  	s2 =	sld [smem:$0x3FD0];
	(tm) =	ssettm $0x1  }
0x91: {  	s18 =	sld [smem:$0x3FFB];
	_ =	sdelay $0x3  }
0x92: {  	_ =	strace s18  }
0x93: {  	s3 =	sld [smem:$0x3FFC];
	_ =	sdelay $0x3  }
0x94: {  	_ =	strace s3  }
0x95: {  	s3 =	sld [smem:$0x3FFD];
	_ =	sdelay $0x3  }
0x96: {  	_ =	strace s3  }
0x97: {  	_ =	strace $0x8FFFFFFF  }
0x98: {  	s19 =	sld [smem:$0x3FDB];
	_ =	sdelay $0x1  }
0x99: {  	s4 =	simm.s32 $_scs_section_size  }
0x9a: {  	s5 =	simm.s32 $_size__tile_overlayer_lowered;
	s6 =	simm.s32 $_tile_overlayer_lowered  }
0x9b: {  	s22 =	simm.s32 $0x1BFF;
	s21 =	sshll.u32 s6, $0x1;
	s3 =	sadd.s32 s4, s19  }
0x9c: {  	s7 =	simm.s32 $0x0;
	s20 =	sshll.u32 s5, $0x1;
	s5 =	sadd.s32 s21, s3  }
0x9d: {  	[timem:s7], [sflag:s22] =	dma.local [hbm:s5], s20  }
0x9e: {  	_ =	swait.ge [sflag:s22], s20  }
0x9f: {  	s4 =	ssub.s32 $0x0, s20;
	[sflag:s22] =	ssyncset.done $0x0  }
0xa0: {  	[sflag:s22] =	ssyncadd.s32 s4;
	_ =	sdelay $0x1  }
0xa1: {  	s23 =	simm.s32 $0x1B8B  }
0xa2: {  	_ =	swait.ge [sflag:s23], $0x1  }
0xa3: {  	[sflag:s23] =	ssyncset.done $0x0  }
0xa4: {  	s25 =	simm.s32 $0x1B8E;
	s24 =	sld [smem:$0x3FFE];
	[sflag:s23] =	ssyncadd.s32 $0xFFFFFFFF  }
0xa5: {  	s26 =	simm.s32 $execute0_lowered;
	[smem:$0x3FD2] =	sst s25  }
0xa6: {  	s5 =	sshll.u32 s26, $0x1;
	_ =	strace $0x80000046;
	[dreg:$0x1] =	wrdreg $0xFFFFFFFF  }
0xa7: {  	s28 =	simm.s32 $_size_execute0_lowered;
	s3 =	sadd.s32 s3, s5;
	[dreg:$0x0] =	wrdreg $0x0  }
0xa8: {  	s5 =	sshll.u32 s28, $0x1;
	[dreg:$0x2] =	wrdreg s3  }
0xa9: {  	[dreg:$0x3] =	wrdreg s5  }
0xaa: {  	[dreg:$0x4] =	wrdreg $0xC0  }
0xab: {  	_ =	task [dreg:s7], $0x5FFFF  }
0xac: {  	[dreg:$0x1] =	wrdreg $0xFFFFFFFF  }
0xad: {  	[dreg:$0x0] =	wrdreg $0x60  }
0xae: {  	[dreg:$0x2] =	wrdreg s24  }
0xaf: {  	[dreg:$0x3] =	wrdreg s2  }
0xb0: {  	[dreg:$0x4] =	wrdreg $0x41000  }
0xb1: {  	[dreg:$0x5] =	wrdreg $0x9  }
0xb2: {  	_ =	task.clear_ibuf [dreg:s7], $0x6FFFF;
	_ =	strace $0x90000046  }
0xb3: {  	s29 =	simm.s32 $0x9;
	_ =	strace $0x80000048  }
0xb4: {  	_ =	swait.ge [sflag:s29], $0x1  }
0xb5: {  	[sflag:s29] =	ssyncadd.s32 $0xFFFFFFFF  }
0xb6: {  	_ =	strace $0x90000048  }
0xb7: {  	_ =	sfence  }
0xb8: {  	s30 =	sld [smem:$0x0];
	_ =	sdelay $0x2  }
0xb9: {  	s31 =	sshll.u32 s1, $0xD;
	s1 =	sshrl.u32 s1, $0x2  }
0xba: {  	s3 =	sand.u32 $0x4000, s31;
	s1 =	sadd.s32 s1, s30  }
0xbb: {  	s0 =	sor.u32 s3, s0;
	s1 =	sshll.u32 s1, $0x11  }
0xbc: {  	s0 =	sor.u32 s1, s0  }
0xbd: {  	s0 =	sadd.s32 $0x8F2B, s0  }
0xbe: {  	[sflag:s0] =	ssyncadd.remote.s32 $0x1  }
0xbf: {  	_ =	sfence.sel $0xFFFF  }
0xc0: {  	[dreg:$0x0] =	wrdreg $0xFFFFFFFF;
	(pc) =	sbr.abs _section_cstart, $3  }
0xc1: {  	[dreg:$0x1] =	wrdreg $0xFFFFFFFF  }
0xc2: {  	_ =	task.clear_ibuf [dreg:s7], $0x2FFFF;
	_ =	strace $0x9FFFFFFF  }
0xc3: {  	(tm) =	ssettm $0x7FFFFFFF  }
tec
execute0_lowered:
.L_overlay_start_1:
0x0: {  	(tag) =	ssettag $0x1  }
0x1: {  	s5 =	rddreg [dreg:$0x0]  }
0x2: {  	s7 =	rddreg [dreg:$0x1]  }
0x3: {  	s1 =	srdreg.scid;
	s0 =	stileid.u32  }
0x4: {  	s2 =	rddreg [dreg:$0x2];
	s3 =	simm.s32 $0x0;
	s4 =	smul.u32 $0x9E00, s0  }
0x5: {  	s14 =	simm.s32 $0x1;
	s15 =	simm.s32 $0x0;
	s9 =	smul.u32 $0x13C00, s0  }
0x6: {  	s6 =	sand.u32 $0x1, s1;
	s1 =	rddreg [dreg:$0x3];
	s11 =	smul.u32 $0x4F000, s0  }
0x7: {  	[smem:$0x7FF] =	sst s3;
	s31 =	sshll.u32 s0, $0x6;
	s8 =	smul.u32 $0x4F00, s6  }
0x8: {  	_ =	strace $0x80000047;
	s30 =	ssub.s32 $0x2, s6;
	s6 =	smul.u32 $0x13C000, s6  }
0x9: {  	s12 =	sshrl.u32 s9, $0x3;
	s13 =	sshrl.u32 s30, $0x1;
	s11 =	sshrl.u32 s11, $0x2  }
0xa: {  	s8 =	sadd.s32 s8, s4;
	s4 =	sadd.s32 $0x16000, s5;
	s11 =	sadd.s32 s11, s2  }
0xb: {  	s9 =	sadd.s32 s9, s6;
	s6 =	sor.u32 $0x1C02, s31;
	s8 =	sshrl.u32 s8, $0x3  }
0xc: {  	s9 =	sshrl.u32 s9, $0x3;
	s10 =	sadd.s32 s8, s5;
	s5 =	sadd.s32 s12, s5  }
0xd: {  	s8 =	ssub.s32 s30, s13;
	s7 =	sadd.s32 s7, s9;
	s12 =	simm.s32 $0x80  }
0xe: {  	s13 =	simm.s32 $0x100;
	s5 =	sadd.s32 $0x3D200, s5;
	s8 =	smax.u32 s8, $0x1  }
0xf: {  	s9 =	sadd.s32 $0x2400, s10;
	s10 =	sshrl.u32 s11, $0x3;
	s11 =	simm.s32 $0x2  }
.LBB2_1:
0x10: {  	[spmem:s10], [sflag:s6] =	dma.local [hbm:s5], $0x2780  }
0x11: {  	_ =	swait.ge [sflag:s11], $0x2780  }
0x12: {  	[sflag:s11] =	ssyncset.done $0x0  }
0x13: {  	[sflag:s11] =	ssyncadd.s32 $0xFFFFD880  }
0x14: {  	s16 =	sadd.s32 $0x0, s9;
	[bflag:$0x0] =	sbarrier.arrive $0xFFFF  }
0x15: {  	[tilespmem:s3], [sflag:$0x2] =	stream.linear.gather [hbm4b:s16+s3], $0x100, $0x38;
	[tilespmem:$0x17D00] =	vst v63  }
0x16: {  	_ =	swait.ge [sflag:s11], $0x100  }
0x17: {  	[sflag:s11] =	ssyncset.done $0x0  }
0x18: {  	[sflag:s11] =	ssyncadd.s32 $0xFFFFFF00  }
0x19: {  	[tilespmem:s13], [sflag:$0x1] =	stream.indirect.gather [hbm4b:s4+s12], $0x80, s3, s12, $0xb8;
	[tilespmem:$0x17D00] =	vst v63  }
0x1a: {  	_ =	swait.ge [sflag:s14], $0x4000  }
0x1b: {  	[sflag:s14] =	ssyncset.done $0x0  }
0x1c: {  	[sflag:s14] =	ssyncadd.s32 $0xFFFFC000  }
0x1d: {  	[spmem:s2] =	stream.indirect.scatter.add.f32 [tilespmem:s13], [sflag:$0x2], $0x80, s12, s12, $0xb8;
	[tilespmem:$0x17D00] =	vst v63  }
0x1e: {  	_ =	swait.ge [sflag:s11], $0x4000  }
0x1f: {  	s17 =	simm.s32 $0x40;
	s16 =	simm.s32 $0x20;
	[sflag:s11] =	ssyncset.done $0x0  }
.LBB2_2:
0x20: {  	s18 =	sadd.s32 s16, s9  }
0x21: {  	[sflag:s11] =	ssyncadd.s32 $0xFFFFC000;
	s16 =	smov.u32 s17;
	s19 =	sadd.s32 $0x20, s17  }
0x22: {  	[tilespmem:s3], [sflag:$0x2] =	stream.linear.gather [hbm4b:s18+s3], $0x100, $0x38;
	[tilespmem:$0x17D00] =	vst v63  }
0x23: {  	p0 =	sne.s32 s17, $0x9C0;
	_ =	swait.ge [sflag:s11], $0x100  }
0x24: {  	[sflag:s11] =	ssyncset.done $0x0  }
0x25: {  	[sflag:s11] =	ssyncadd.s32 $0xFFFFFF00  }
0x26: {  	[tilespmem:s13], [sflag:$0x1] =	stream.indirect.gather [hbm4b:s4+s12], $0x80, s3, s12, $0xb8;
	[tilespmem:$0x17D00] =	vst v63  }
0x27: {  	_ =	swait.ge [sflag:s14], $0x4000  }
.Ltmp0:
0x28: {  	[sflag:s14] =	ssyncset.done $0x0;
	(pc) =	sbr.rel @p0 .LBB2_2-.Ltmp0, $4  }
0x29: {  	[sflag:s14] =	ssyncadd.s32 $0xFFFFC000  }
0x2a: {  	[spmem:s2] =	stream.indirect.scatter.add.f32 [tilespmem:s13], [sflag:$0x2], $0x80, s12, s12, $0xb8;
	[tilespmem:$0x17D00] =	vst v63  }
0x2b: {  	_ =	swait.ge [sflag:s11], $0x4000  }
0x2c: {  	s17 =	smov.u32 s19;
	[sflag:s11] =	ssyncset.done $0x0  }
0x2d: {  	s16 =	sadd.s32 s16, s9;
	[sflag:s11] =	ssyncadd.s32 $0xFFFFC000  }
0x2e: {  	[tilespmem:s3], [sflag:$0x2] =	stream.linear.gather [hbm4b:s16+s3], $0x100, $0x38;
	[tilespmem:$0x17D00] =	vst v63  }
0x2f: {  	_ =	swait.ge [sflag:s11], $0x100  }
0x30: {  	[sflag:s11] =	ssyncset.done $0x0  }
0x31: {  	[sflag:s11] =	ssyncadd.s32 $0xFFFFFF00  }
0x32: {  	[tilespmem:s13], [sflag:$0x1] =	stream.indirect.gather [hbm4b:s4+s12], $0x80, s3, s12, $0xb8;
	[tilespmem:$0x17D00] =	vst v63  }
0x33: {  	_ =	swait.ge [sflag:s14], $0x4000  }
0x34: {  	[sflag:s14] =	ssyncset.done $0x0  }
0x35: {  	[sflag:s14] =	ssyncadd.s32 $0xFFFFC000  }
0x36: {  	[spmem:s2] =	stream.indirect.scatter.add.f32 [tilespmem:s13], [sflag:$0x2], $0x80, s12, s12, $0xb8;
	[tilespmem:$0x17D00] =	vst v63  }
0x37: {  	_ =	swait.ge [sflag:s11], $0x4000  }
0x38: {  	s15 =	sadd.s32 $0x1, s15;
	[sflag:s11] =	ssyncset.done $0x0  }
0x39: {  	p0 =	sne.s32 s15, s8;
	[sflag:s11] =	ssyncadd.s32 $0xFFFFC000  }
.Ltmp1:
0x3a: {  	[bflag:$0x0] =	sbarrier.arrive $0xFFFF;
	(pc) =	sbr.rel @p0 .LBB2_1-.Ltmp1, $4  }
0x3b: {  	[hbm:s7], [sflag:s6] =	dma.local [spmem:s10], $0x2780  }
0x3c: {  	_ =	swait.ge [sflag:s11], $0x2780  }
0x3d: {  	[sflag:s11] =	ssyncset.done $0x0  }
0x3e: {  	[sflag:s11] =	ssyncadd.s32 $0xFFFFD880  }
0x3f: {  	_ =	sfence.sel $0x180000  }
0x40: {  	[bflag:$0x0] =	sbarrier.arrive $0xFFFF  }
0x41: {  	p0 =	sne.s32 s0, $0x0;
	_ =	strace $0x90000047  }
0x42: {  	s0 =	sadd.s32 @!p0 $0x100000, s1;
	[bflag:$0x2] =	sbarrier.arrive $0xFFFF  }
0x43: {  	[sflag:s0] =	ssyncadd.tile.s32 @!p0 $0x1;
	_ =	shalt  }
.Lfunc_end2:
_tile_overlayer_lowered:
.L_overlay_start_2:
0x44: {  	(tag) =	ssettag $0x2  }
0x45: {  	s0 =	rddreg [dreg:$0x0];
	s2 =	stileid.u32  }
0x46: {  	s1 =	rddreg [dreg:$0x1];
	p0 =	sne.s32 s2, $0x0  }
0x47: {  	s3 =	rddreg [dreg:$0x2];
	[bflag:$0x3] =	sbarrier.arrive $0xFFFF;
	s2 =	simm.s32 @!p0 $0x1C02  }
0x48: {  	[timem:s3], [sflag:s2] =	dma.local @!p0 [hbm:s0], s1  }
0x49: {  	s0 =	simm.s32 @!p0 $0x2  }
0x4a: {  	_ =	swait.ge @!p0 [sflag:s0], s1  }
0x4b: {  	s1 =	ssub.s32 @!p0 $0x0, s1;
	[sflag:s0] =	ssyncset.done @!p0 $0x0  }
0x4c: {  	[sflag:s0] =	ssyncadd.s32 @!p0 s1  }
0x4d: {  	[bflag:$0x3] =	sbarrier.arrive $0xFFFF  }
0x4e: {  	_ =	shalt  }

// kernel: sparse-core-data-format-call.cloned.1.call-start
scs
called_computation_lowered:
.L_overlay_start_0:
0x0: {  	s2 =	sld [smem:$0x3FD9]  }
0x1: {  	s3 =	sld [smem:$0x3FFE];
	_ =	sdelay $0x1  }
0x2: {  	s1 =	srdreg.scid  }
0x3: {  	s0 =	sand.u32 $0x1, s1  }
0x4: {  	s18 =	sshll.u32 s0, $0xA;
	s2 =	sadd.s32 s3, s2  }
0x5: {  	s2 =	sadd.s32 s2, s18  }
0x6: {  	[smem:$0x3FBE] =	sst s2  }
0x7: {  	_ = 	snop  }
0x8: {  	s2 =	sld [smem:$0x3FD0];
	(tm) =	ssettm $0x1  }
0x9: {  	s19 =	sld [smem:$0x3FFB];
	_ =	sdelay $0x3  }
0xa: {  	_ =	strace s19  }
0xb: {  	s3 =	sld [smem:$0x3FFC];
	_ =	sdelay $0x3  }
0xc: {  	_ =	strace s3  }
0xd: {  	s3 =	sld [smem:$0x3FFD];
	_ =	sdelay $0x3  }
0xe: {  	_ =	strace s3  }
0xf: {  	_ =	strace $0x8FFFFFFF  }
0x10: {  	s20 =	sld [smem:$0x3FDB];
	_ =	sdelay $0x1  }
0x11: {  	s4 =	simm.s32 $_scs_section_size  }
0x12: {  	s5 =	simm.s32 $_size__tile_overlayer_lowered;
	s6 =	simm.s32 $_tile_overlayer_lowered  }
0x13: {  	s23 =	simm.s32 $0x1BFF;
	s22 =	sshll.u32 s6, $0x1;
	s3 =	sadd.s32 s4, s20  }
0x14: {  	s7 =	simm.s32 $0x0;
	s21 =	sshll.u32 s5, $0x1;
	s5 =	sadd.s32 s22, s3  }
0x15: {  	[timem:s7], [sflag:s23] =	dma.local [hbm:s5], s21  }
0x16: {  	_ =	swait.ge [sflag:s23], s21  }
0x17: {  	s4 =	ssub.s32 $0x0, s21;
	[sflag:s23] =	ssyncset.done $0x0  }
0x18: {  	[sflag:s23] =	ssyncadd.s32 s4;
	_ =	sdelay $0x1  }
0x19: {  	s24 =	simm.s32 $0x1B8B  }
0x1a: {  	_ =	swait.ge [sflag:s24], $0x1  }
0x1b: {  	[sflag:s24] =	ssyncset.done $0x0  }
0x1c: {  	s26 =	simm.s32 $0x1B8E;
	s25 =	sld [smem:$0x3FFE];
	[sflag:s24] =	ssyncadd.s32 $0xFFFFFFFF  }
0x1d: {  	s27 =	simm.s32 $execute0_lowered;
	[smem:$0x3FD2] =	sst s26  }
0x1e: {  	s5 =	sshll.u32 s27, $0x1;
	_ =	strace $0x8000004F;
	[dreg:$0x1] =	wrdreg $0xFFFFFFFF  }
0x1f: {  	s28 =	simm.s32 $_size_execute0_lowered;
	s3 =	sadd.s32 s3, s5;
	[dreg:$0x0] =	wrdreg $0x0  }
0x20: {  	s5 =	sshll.u32 s28, $0x1;
	[dreg:$0x2] =	wrdreg s3  }
0x21: {  	[dreg:$0x3] =	wrdreg s5  }
0x22: {  	[dreg:$0x4] =	wrdreg $0xC0  }
0x23: {  	_ =	task [dreg:s7], $0x5FFFF  }
0x24: {  	[dreg:$0x1] =	wrdreg $0xFFFFFFFF  }
0x25: {  	[dreg:$0x0] =	wrdreg $0x60  }
0x26: {  	[dreg:$0x2] =	wrdreg s25  }
0x27: {  	[dreg:$0x3] =	wrdreg s2  }
0x28: {  	[dreg:$0x4] =	wrdreg $0x9  }
0x29: {  	_ =	task.clear_ibuf [dreg:s7], $0x5FFFF;
	_ =	strace $0x9000004F  }
0x2a: {  	s29 =	simm.s32 $0x9;
	_ =	strace $0x80000051  }
0x2b: {  	_ =	swait.ge [sflag:s29], $0x1  }
0x2c: {  	[sflag:s29] =	ssyncadd.s32 $0xFFFFFFFF  }
0x2d: {  	_ =	strace $0x90000051  }
0x2e: {  	_ =	sfence  }
0x2f: {  	s30 =	sld [smem:$0x0];
	_ =	sdelay $0x2  }
0x30: {  	s31 =	sshll.u32 s1, $0xD;
	s1 =	sshrl.u32 s1, $0x2  }
0x31: {  	s3 =	sand.u32 $0x4000, s31;
	s1 =	sadd.s32 s1, s30  }
0x32: {  	s0 =	sor.u32 s3, s0;
	s1 =	sshll.u32 s1, $0x11  }
0x33: {  	s0 =	sor.u32 s1, s0  }
0x34: {  	s0 =	sadd.s32 $0x8F2B, s0  }
0x35: {  	[sflag:s0] =	ssyncadd.remote.s32 $0x1  }
0x36: {  	_ =	sfence.sel $0xFFFF  }
0x37: {  	[dreg:$0x0] =	wrdreg $0xFFFFFFFF;
	(pc) =	sbr.abs _section_cstart, $3  }
0x38: {  	[dreg:$0x1] =	wrdreg $0xFFFFFFFF  }
0x39: {  	_ =	task.clear_ibuf [dreg:s7], $0x2FFFF;
	_ =	strace $0x9FFFFFFF  }
0x3a: {  	(tm) =	ssettm $0x7FFFFFFF  }
0x3b: {  	_ =	shalt  }
tec
execute0_lowered:
.L_overlay_start_1:
0x0: {  	(tag) =	ssettag $0x1  }
0x1: {  	s0 =	stileid.u32  }
0x2: {  	s2 =	srdreg.scid;
	s7 =	rddreg [dreg:$0x0]  }
0x3: {  	s6 =	simm.s32 $0x1;
	s31 =	simm.s32 $0x2;
	s16 =	simm.s32 $0x0  }
0x4: {  	s9 =	simm.s32 $0x2000;
	s15 =	simm.s32 $0x0;
	s10 =	simm.s32 $0x0  }
0x5: {  	s11 =	simm.s32 $0x0;
	s14 =	simm.s32 $0x0;
	s1 =	sshll.u32 s0, $0x7  }
0x6: {  	s3 =	sshll.u32 s0, $0x4;
	s2 =	sshll.u32 s2, $0x8;
	s1 =	sand.u32 $0x380, s1  }
0x7: {  	s7 =	sadd.s32 $0x142400, s7;
	s2 =	sor.u32 s3, s2;
	s5 =	ssub.s32 $0x400, s1  }
0x8: {  	s3 =	rddreg [dreg:$0x1];
	s4 =	sand.u32 $0x180, s2;
	s29 =	sand.u32 $0x380, s5  }
0x9: {  	s30 =	ssub.s32 $0x2700, s4;
	s5 =	sshrl.u32 s5, $0xA;
	p0 =	sne.s32 s29, $0x0  }
.Ltmp0:
0xa: {  	s8 =	sshrl.u32 s30, $0x9;
	s6 =	simm.s32 @!p0 $0x0;
	(pc) =	sbr.rel .LBB1_1-.Ltmp0, $4  }
0xb: {  	s2 =	rddreg [dreg:$0x2];
	s8 =	sadd.s32 $0x1, s8;
	s6 =	sadd.s32 s6, s5  }
0xc: {  	_ =	strace $0x80000050;
	s5 =	simm.s32 $0x1;
	s6 =	smul.u32 s6, s8  }
0xd: {  	s13 =	smov.u32 s1;
	s12 =	smov.u32 s4;
	[sflag:s5] =	ssyncpa.u1 $0x0  }
0xe: {  	p0 =	por $0x0, $0x0;
	[sflag:s31] =	ssyncpa.u1 $0x0;
	s8 =	sadd.s32 $0x1, s6  }
.LBB1_4:
0xf: {  	s21 =	sshra.s32 s21, $0x2;
	s27 =	sshll.u32 s10, $0xA;
	s22 =	sshll.u32 s11, $0x3  }
0x10: {  	s23 =	sshll.u32 s10, $0x7;
	s24 =	sand.u32 $0x78, s11;
	p1 =	sgt.s32 s10, $0x2690  }
0x11: {  	s25 =	sshra.s32 s10, $0x1F;
	s26 =	sshra.s32 s11, $0x1F;
	s20 =	sadd.s32 s21, s20  }
0x12: {  	v5 =	vld [tilespmem:s18+$0xFFFFFFD0];
	[tilespmem:s19+$0x2040 ss:$0x81] =	vst.msk $0xffff, v4;
	s21 =	sand.u32 $0xFFFFE000, s27;
	s22 =	sand.u32 $0xFFFFFC00, s22;
	s28 =	sand.u32 $0x380, s23  }
0x13: {  	v58 =	vld [tilespmem:s18+$0xFFFFFFE0];
	[tilespmem:s19+$0x2850 ss:$0x81] =	vst.msk $0xffff, v3;
	s23 =	smov.u32 s10;
	s30 =	sand.u32 s25, s10;
	s25 =	smov.u32 s11  }
0x14: {  	v59 =	vld [tilespmem:s18+$0xFFFFFFF0];
	[tilespmem:s19+$0x3060 ss:$0x81] =	vst.msk $0xffff, v2;
	s31 =	sand.u32 s26, s11;
	s21 =	sadd.s32 s22, s21;
	s22 =	sor.u32 s24, s28  }
0x15: {  	v60 =	vld [tilespmem:s18+$0x0];
	[tilespmem:s19+$0x0 ss:$0x81] =	vst.msk $0xffff, v1;
	s23 =	simm.s32 @!p1 $0x2690;
	p1 =	sgt.s32 s11, $0x380;
	s21 =	sshrl.u32 s21, $0xA  }
0x16: {  	v61 =	vld [tilespmem:s18+$0x10];
	[tilespmem:s20+$0x3870 ss:$0x81] =	vst.msk $0xffff, v0;
	s19 =	ssub.s32 s23, s30;
	s25 =	simm.s32 @!p1 $0x380;
	s29 =	smulhi.u32 $0x1A36E3, s21  }
0x17: {  	v62 =	vld [tilespmem:s18+$0x20];
	s23 =	ssub.s32 s25, s31;
	s26 =	sadd.s32 $0xFFFFD970, s19;
	s19 =	ssub.s32 $0x2710, s19;
	[tilespmem:s20+$0x810 ss:$0x81] =	vst.msk $0xffff, v5  }
0x18: {  	v63 =	vld [tilespmem:s18+$0xFFFFFFC0];
	[tilespmem:s20+$0x1020 ss:$0x81] =	vst.msk $0xffff, v58;
	p1 =	sgt.s32 s26, $0x7F;
	s28 =	sadd.s32 $0xFFFFFC80, s23;
	s24 =	sshrl.u32 s29, $0x2  }
0x19: {  	[tilespmem:s20+$0x1830 ss:$0x81] =	vst.msk $0xffff, v59;
	s23 =	ssub.s32 $0x400, s23;
	p2 =	sgt.s32 s28, $0x7F;
	s27 =	smul.u32 $0x2710, s24  }
0x1a: {  	s30 =	sand.u32 $0x7, s11;
	[tilespmem:s20+$0x2040 ss:$0x81] =	vst.msk $0xffff, v60;
	s19 =	simm.s32 @p1 $0x0;
	s23 =	simm.s32 @p2 $0x0  }
0x1b: {  	[tilespmem:s20+$0x2850 ss:$0x81] =	vst.msk $0xffff, v61;
	s29 =	sshrl.u32 s22, $0x3;
	s19 =	smul.u32 s23, s19;
	s18 =	ssub.s32 s21, s27  }
0x1c: {  	[tilespmem:s20+$0x3060 ss:$0x81] =	vst.msk $0xffff, v62;
	s22 =	sshll.u32 s30, $0x12;
	s21 =	sadd.s32 s3, s29;
	s18 =	sshll.u32 s18, $0x7  }
0x1d: {  	[tilespmem:s20+$0x0 ss:$0x81] =	vst.msk $0xffff, v63;
	s31 =	sor.u32 $0x400, s22;
	s19 =	sand.u32 $0x3FFFFFFF, s19;
	s18 =	sadd.s32 s18, s21  }
0x1e: {  	[hbm4b:s18+s31] =	stream.strided.scatter [tilespmem:s17], [sflag:$0x2], s19, s9, s31, $0x20;
	[tilespmem:$0x10100] =	vst v63  }
.LBB1_5:
0x1f: {  	p1 =	slt.u32 s14, $0x2  }
0x20: {  	s18 =	smov.u32 s16;
	p2 =	sgt.s32 @!p1 s16, $0x2690;
	s17 =	sshra.s32 @!p1 s16, $0x1F  }
0x21: {  	p3 =	sgt.s32 @!p1 s15, $0x380;
	s19 =	sshra.s32 @!p1 s15, $0x1F;
	p2 =	por !p2, p1  }
0x22: {  	s16 =	sand.u32 @!p1 s17, s16;
	p3 =	por !p3, p1;
	s17 =	smov.u32 s15  }
0x23: {  	s15 =	sand.u32 @!p1 s19, s15;
	s18 =	simm.s32 @p2 $0x2690;
	s17 =	simm.s32 @p3 $0x380  }
0x24: {  	s16 =	ssub.s32 @!p1 s18, s16;
	s15 =	ssub.s32 @!p1 s17, s15  }
0x25: {  	s19 =	smov.u32 s13;
	s17 =	sadd.s32 @!p1 $0xFFFFD970, s16;
	s18 =	sadd.s32 @!p1 $0xFFFFFC80, s15  }
0x26: {  	s16 =	ssub.s32 @!p1 $0x2710, s16;
	p2 =	sgt.s32 @!p1 s17, $0x7F;
	p3 =	sgt.s32 @!p1 s18, $0x7F  }
0x27: {  	s15 =	ssub.s32 @!p1 $0x400, s15;
	p2 =	por !p2, p1;
	p3 =	por !p3, p1  }
0x28: {  	s17 =	sadd.s32 $0x200, s12;
	s16 =	simm.s32 @!p2 $0x0;
	s15 =	simm.s32 @!p3 $0x0  }
0x29: {  	p2 =	sgt.s32 s17, $0x270F;
	s15 =	smul.u32 @!p1 s15, s16;
	s16 =	sadd.s32 $0x400, s13  }
0x2a: {  	s19 =	smov.u32 @p2 s16  }
0x2b: {  	s17 =	smov.u32 @p2 s4;
	p2 =	sgt.s32 s19, $0x3FF  }
0x2c: {  	s19 =	smov.u32 @p2 s1;
	p2 =	sne.s32 s14, s8  }
.Ltmp1:
0x2d: {  	p0 =	por !p0, !p0;
	s18 =	simm.s32 @!p1 $0x2;
	(pc) =	sbr.rel @!p2 .LBB1_6-.Ltmp1, $4  }
0x2e: {  	s16 =	smov.u32 s10;
	s10 =	smov.u32 s12;
	s15 =	sand.u32 @!p1 $0x3FFFFFFF, s15  }
0x2f: {  	s12 =	smov.u32 s17;
	_ =	swait.ge @!p1 [sflag:s18], s15;
	s20 =	ssub.s32 @!p1 $0x0, s15  }
0x30: {  	s15 =	smov.u32 s11;
	s14 =	sadd.s32 $0x1, s14;
	[sflag:s18] =	ssyncset.done @!p1 $0x0  }
0x31: {  	s11 =	smov.u32 s13;
	s13 =	smov.u32 s19;
	[sflag:s18] =	ssyncadd.s32 @!p1 s20  }
.LBB1_1:
0x32: {  	p1 =	sge.u32 s14, s6  }
0x33: {  	s17 =	sshrl.u32 @!p1 s13, $0x3  }
0x34: {  	s18 =	sshll.u32 @!p1 s12, $0x3;
	s17 =	smul.u32 @!p1 $0x13C00, s17  }
0x35: {  	s19 =	sshll.u32 @!p1 s13, $0x7;
	s18 =	sand.u32 @!p1 $0xFFFFFC00, s18  }
0x36: {  	s17 =	sadd.s32 @!p1 s17, s18;
	s18 =	sand.u32 @!p1 $0x380, s19  }
0x37: {  	s19 =	sand.u32 @!p1 $0x7F, s12;
	s17 =	sor.u32 @!p1 s18, s17  }
0x38: {  	s18 =	sor.u32 @!p1 s19, s17  }
0x39: {  	s19 =	smulhi.u32 @!p1 $0xCF6474A9, s18;
	_ =	sdelay $0x1  }
0x3a: {  	s17 =	smulhi.u32 @!p1 $0xCF6474A9, s17;
	s19 =	sshrl.u32 @!p1 s19, $0xD  }
0x3b: {  	s19 =	smul.u32 @!p1 $0x2780, s19  }
0x3c: {  	s31 =	sadd.s32 $0xFFFFFFFF, s14;
	s20 =	sxor.u32 @!p1 $0xFFFFFFFF, s14;
	s17 =	sshrl.u32 @!p1 s17, $0xD  }
0x3d: {  	s20 =	sshll.u32 @!p1 s20, $0xE;
	s17 =	sand.u32 @!p1 $0x3FF, s17;
	s18 =	ssub.s32 @!p1 s18, s19  }
0x3e: {  	s17 =	smul.u32 @!p1 $0x4F0, s17;
	s19 =	sshrl.u32 @!p1 s18, $0x3;
	s18 =	sand.u32 @!p1 $0x7, s18  }
0x3f: {  	s20 =	sand.u32 @!p1 $0x4000, s20;
	s19 =	sadd.s32 @!p1 s7, s19;
	s18 =	sshll.u32 @!p1 s18, $0x12  }
0x40: {  	s17 =	sadd.s32 @!p1 s17, s19;
	s18 =	sor.u32 @!p1 $0x400, s18;
	s19 =	simm.s32 @!p1 $0x13C00  }
0x41: {  	[tilespmem:s20], [sflag:$0x1] =	stream.strided.gather @!p1 [hbm4b:s17+s18], $0x4000, s19, s18, $0x38;
	[tilespmem:$0x10100] =	vst v63  }
0x42: {  	p1 =	sge.u32 s31, s6  }
.Ltmp2:
0x43: {  	_ = 	snop;
	(pc) =	sbr.rel @p1 .LBB1_5-.Ltmp2, $1  }
0x44: {  	_ =	sdelay $0x3  }
0x45: {  	s17 =	simm.s32 $0x1  }
0x46: {  	_ =	swait.ge [sflag:s5], $0x4000;
	s17 =	simm.s32 @!p0 $0x0  }
0x47: {  	[sflag:s5] =	ssyncset.done $0x0;
	s18 =	sshll.u32 s17, $0xE  }
0x48: {  	[sflag:s5] =	ssyncadd.s32 $0xFFFFC000;
	s18 =	sor.u32 $0x40, s18  }
0x49: {  	s17 =	smul.u32 $0x10200, s17;
	v0 =	vld [tilespmem:s18+$0x30]  }
0x4a: {  	v1 =	vld [tilespmem:s18+$0xFFFFFFD0]  }
0x4b: {  	s17 =	sshrl.u32 s17, $0x2;
	v5 =	vld [tilespmem:s18+$0xFFFFFFE0]  }
0x4c: {  	v6 =	vld [tilespmem:s18+$0xFFFFFFF0];
	s20 =	sor.u32 $0x8000, s17  }
0x4d: {  	s31 =	sand.u32 $0x1, s14;
	v4 =	vld [tilespmem:s18+$0x0];
	s19 =	sadd.s32 $0x0, s20  }
0x4e: {  	v3 =	vld [tilespmem:s18+$0x10];
	s17 =	smul.u32 $0x10200, s31;
	[tilespmem:s19+$0x3870 ss:$0x81] =	vst.msk $0xffff, v0  }
0x4f: {  	v2 =	vld [tilespmem:s18+$0x20];
	[tilespmem:s19+$0x810 ss:$0x81] =	vst.msk $0xffff, v1  }
0x50: {  	s17 =	sshrl.u32 s17, $0x2;
	v1 =	vld [tilespmem:s18+$0xFFFFFFC0];
	[tilespmem:s19+$0x1020 ss:$0x81] =	vst.msk $0xffff, v5;
	s18 =	sadd.s32 $0x80, s18  }
0x51: {  	s21 =	simm.s32 $0x4;
	s22 =	simm.s32 $0x8;
	s17 =	sor.u32 $0x8000, s17;
	[tilespmem:s19+$0x1830 ss:$0x81] =	vst.msk $0xffff, v6;
	v0 =	vld [tilespmem:s18+$0x30]  }
.LBB1_3:
0x52: {  	p1 =	sne.s32 s22, $0x1FC;
	v5 =	vld [tilespmem:s18+$0xFFFFFFD0];
	[tilespmem:s19+$0x2040 ss:$0x81] =	vst.msk $0xffff, v4  }
0x53: {  	v6 =	vld [tilespmem:s18+$0xFFFFFFE0];
	[tilespmem:s19+$0x2850 ss:$0x81] =	vst.msk $0xffff, v3  }
0x54: {  	s23 =	sshra.s32 s21, $0x2;
	s21 =	smov.u32 s22;
	v7 =	vld [tilespmem:s18+$0xFFFFFFF0];
	[tilespmem:s19+$0x3060 ss:$0x81] =	vst.msk $0xffff, v2  }
.Ltmp3:
0x55: {  	v4 =	vld [tilespmem:s18+$0x0];
	[tilespmem:s19+$0x0 ss:$0x81] =	vst.msk $0xffff, v1;
	s19 =	sadd.s32 s23, s20;
	(pc) =	sbr.rel @p1 .LBB1_3-.Ltmp3, $4  }
0x56: {  	v3 =	vld [tilespmem:s18+$0x10];
	[tilespmem:s19+$0x3870 ss:$0x81] =	vst.msk $0xffff, v0  }
0x57: {  	[tilespmem:s19+$0x810 ss:$0x81] =	vst.msk $0xffff, v5;
	v2 =	vld [tilespmem:s18+$0x20]  }
0x58: {  	v1 =	vld [tilespmem:s18+$0xFFFFFFC0];
	[tilespmem:s19+$0x1020 ss:$0x81] =	vst.msk $0xffff, v6;
	s18 =	sadd.s32 $0x80, s18  }
0x59: {  	s22 =	sadd.s32 $0x4, s22;
	v0 =	vld [tilespmem:s18+$0x30];
	[tilespmem:s19+$0x1830 ss:$0x81] =	vst.msk $0xffff, v7  }
.Ltmp4:
0x5a: {  	_ = 	snop;
	(pc) =	sbr.rel .LBB1_4-.Ltmp4, $1  }
0x5b: {  	_ =	sdelay $0x3  }
.LBB1_6:
0x5c: {  	_ =	sfence.sel $0x180000  }
0x5d: {  	s1 =	simm.s32 $0x1;
	[bflag:$0x0] =	sbarrier.arrive $0xFFFF  }
0x5e: {  	s31 =	simm.s32 $0x2;
	[sflag:s1] =	ssyncpa.u1 $0x1  }
0x5f: {  	[sflag:s31] =	ssyncpa.u1 $0x1  }
0x60: {  	p0 =	sne.s32 s0, $0x0;
	_ =	strace $0x90000050  }
0x61: {  	s0 =	sadd.s32 @!p0 $0x100000, s2;
	[bflag:$0x2] =	sbarrier.arrive $0xFFFF  }
0x62: {  	[sflag:s0] =	ssyncadd.tile.s32 @!p0 $0x1;
	_ =	shalt  }
.Lfunc_end1:
_tile_overlayer_lowered:
.L_overlay_start_2:
0x63: {  	(tag) =	ssettag $0x2  }
0x64: {  	s0 =	rddreg [dreg:$0x0];
	s2 =	stileid.u32  }
0x65: {  	s1 =	rddreg [dreg:$0x1];
	p0 =	sne.s32 s2, $0x0  }
0x66: {  	s3 =	rddreg [dreg:$0x2];
	[bflag:$0x3] =	sbarrier.arrive $0xFFFF;
	s2 =	simm.s32 @!p0 $0x1C01  }
0x67: {  	[timem:s3], [sflag:s2] =	dma.local @!p0 [hbm:s0], s1  }
0x68: {  	s0 =	simm.s32 @!p0 $0x1  }
0x69: {  	_ =	swait.ge @!p0 [sflag:s0], s1  }
0x6a: {  	s1 =	ssub.s32 @!p0 $0x0, s1;
	[sflag:s0] =	ssyncset.done @!p0 $0x0  }
0x6b: {  	[sflag:s0] =	ssyncadd.s32 @!p0 s1  }
0x6c: {  	[bflag:$0x3] =	sbarrier.arrive $0xFFFF  }
0x6d: {  	_ =	shalt  }

</sc_bundles>
